<compile_context>
chip_gen: v7x
topology: tpu7x:2x2x1
jax: 0.10.2.dev20260603
libtpu: 0.0.44.dev20260713+nightly
codegen_flags: <defaults>
</compile_context>

<pallas_src>
import functools

import jax
import jax.numpy as jnp
from jax import lax
from jax.experimental import pallas as pl
from jax.experimental.pallas import tpu as pltpu
from jax.experimental.pallas import tpu_sc as plsc

_INTERPRET = False


def _select_kernel(z2_ref, pos_ref, q_ref, cb_ref, c2b_ref, out_ref):
    z = q_ref[0]
    cb = cb_ref[...]
    dot = jax.lax.dot_general(cb, z, (((1,), (0,)), ((), ())),
                              preferred_element_type=jnp.float32)
    z2 = z2_ref[0, 0]
    c2 = c2b_ref[:, 0:1]
    d2 = (z2 + c2) - 2.0 * dot

    u = jax.lax.bitcast_convert_type(d2, jnp.int32)
    key = u ^ ((u >> 31) & jnp.int32(0x7FFFFFFF))

    kk = key.shape[0]
    tn = key.shape[1]
    t = pos_ref[0, 0].astype(jnp.float32)
    iota = jax.lax.broadcasted_iota(jnp.int32, key.shape, 0)

    minkey = jnp.min(key)
    maxkey = jnp.max(key)
    dxor = minkey ^ maxkey
    dxf = jax.lax.bitcast_convert_type(dxor.astype(jnp.float32), jnp.int32)
    nb = jnp.where(dxor == 0, jnp.int32(0), (dxf >> 23) - 127)
    nb = jnp.where(dxor < 0, jnp.int32(31), nb)

    def _init_prefix(_):
        p0 = minkey & ~((jnp.int32(1) << (nb + 1)) - 1)
        return (jnp.minimum(nb, 30),
                jnp.broadcast_to(p0[None, None], (1, tn)),
                jnp.zeros((1, tn), jnp.float32),
                jnp.full((1, tn), jnp.float32(kk)))

    def _init_sign(_):
        cnt0 = jnp.sum((key < 0).astype(jnp.float32), axis=0, keepdims=True)
        neg = cnt0 > t
        return (jnp.int32(30),
                jnp.where(neg, jnp.int32(-(2 ** 31)), jnp.int32(0)),
                jnp.where(neg, jnp.float32(0.0), cnt0),
                jnp.where(neg, cnt0, jnp.float32(kk)))

    b0, p_0, lo0, hi0 = jax.lax.cond(nb >= 31, _init_sign, _init_prefix, 0)

    def _cond(carry):
        b, _, _, _, maxw = carry
        return jnp.logical_and(b >= 0, maxw > 1.5)

    def _body(carry):
        b, p, lo, hi, _ = carry
        c = p + (jnp.int32(1) << b)
        cnt = jnp.sum((key < c).astype(jnp.float32), axis=0, keepdims=True)
        acc = cnt <= t
        p = jnp.where(acc, c, p)
        lo = jnp.where(acc, cnt, lo)
        hi = jnp.where(acc, hi, cnt)
        return (b - 1, p, lo, hi, jnp.max(hi - lo))

    b, P, lo, hi, maxw = jax.lax.while_loop(
        _cond, _body, (b0, p_0, lo0, hi0, jnp.float32(kk)))

    ub = P + ((jnp.int32(1) << (b + 1)) - 1)
    win = (key >= P) & (key <= ub)

    def _unique_path(_):
        return jnp.sum(jnp.where(win, iota, 0), axis=0, keepdims=True)

    def _tie_path(_):
        t2 = t - lo

        def _first(_):
            return jnp.min(jnp.where(win, iota, jnp.int32(kk)),
                           axis=0, keepdims=True)

        def _search(_):
            q = jnp.zeros(t.shape, jnp.int32)
            for bb in range(9, -1, -1):
                cc = q + jnp.int32(1 << bb)
                cnt = jnp.sum(jnp.where(win & (iota < cc), 1.0, 0.0),
                              axis=0, keepdims=True)
                q = jnp.where(cnt <= t2, cc, q)
            return q

        return jax.lax.cond(jnp.max(t2) <= 0.5, _first, _search, 0)

    idx = jax.lax.cond(maxw <= 1.5, _unique_path, _tie_path, 0)
    out_ref[0, 0] = idx


def _run_select(q, cbk, c2, z2, pos, tn):
    bsz, d, h, w = q.shape
    hw = h * w
    k = cbk.shape[0]
    g = hw // tn
    qr = q.reshape(bsz, d, hw)
    z2r = z2.reshape(bsz, g, 1, tn)
    posr = pos.reshape(bsz, g, 1, tn)
    c2b = jnp.broadcast_to(c2[:, None], (k, 128))

    idx = pl.pallas_call(
        _select_kernel,
        grid=(bsz, g),
        in_specs=[
            pl.BlockSpec((1, 1, 1, tn), lambda b, j: (b, j, 0, 0)),
            pl.BlockSpec((1, 1, 1, tn), lambda b, j: (b, j, 0, 0)),
            pl.BlockSpec((1, d, tn), lambda b, j: (b, 0, j)),
            pl.BlockSpec((k, d), lambda b, j: (0, 0)),
            pl.BlockSpec((k, 128), lambda b, j: (0, 0)),
        ],
        out_specs=pl.BlockSpec((1, 1, 1, tn), lambda b, j: (b, j, 0, 0)),
        out_shape=jax.ShapeDtypeStruct((bsz, g, 1, tn), jnp.int32),
        compiler_params=pltpu.CompilerParams(
            dimension_semantics=("parallel", "arbitrary")),
        interpret=_INTERPRET,
    )(z2r, posr, qr, cbk, c2b)
    return idx.reshape(bsz * hw)


def _sc_gather(cbk, idx_flat):
    n_total = idx_flat.shape[0]
    d = cbk.shape[1]
    info = plsc.get_sparse_core_info()
    nw = info.num_cores * info.num_subcores
    b_per_w = n_total // nw
    ch = min(b_per_w, 256)
    nch = b_per_w // ch
    mesh = plsc.VectorSubcoreMesh(core_axis_name="c", subcore_axis_name="s")

    @functools.partial(
        pl.kernel, mesh=mesh,
        out_type=jax.ShapeDtypeStruct((n_total, d), jnp.float32),
        scratch_types=[
            pltpu.VMEM((ch,), jnp.int32),
            pltpu.VMEM((ch, d), jnp.float32),
            pltpu.SemaphoreType.DMA,
        ],
    )
    def k(cb_hbm, idx_hbm, out_hbm, idx_v, rows_v, sem):
        wid = lax.axis_index("s") * info.num_cores + lax.axis_index("c")
        base = wid * b_per_w
        for c in range(nch):
            off = base + c * ch
            pltpu.sync_copy(idx_hbm.at[pl.ds(off, ch)], idx_v)
            pltpu.async_copy(cb_hbm.at[idx_v], rows_v, sem).wait()
            pltpu.sync_copy(rows_v, out_hbm.at[pl.ds(off, ch)])

    return k(cbk, idx_flat)


def _blend_kernel(s_ref, q_ref, m_ref, o_ref):
    st = jnp.transpose(s_ref[0, 0], (1, 0))
    m = m_ref[0, 0]
    o_ref[0] = m * st + (1.0 - m) * q_ref[0]


def _run_blend(sampled_nd, q, mask2d, tnb):
    bsz, d, h, w = q.shape
    hw = h * w
    g = hw // tnb
    qr = q.reshape(bsz, d, hw)
    sr = sampled_nd.reshape(bsz, g, tnb, d)
    mr = mask2d.reshape(bsz, g, 1, tnb)
    out = pl.pallas_call(
        _blend_kernel,
        grid=(bsz, g),
        in_specs=[
            pl.BlockSpec((1, 1, tnb, d), lambda b, j: (b, j, 0, 0)),
            pl.BlockSpec((1, d, tnb), lambda b, j: (b, 0, j)),
            pl.BlockSpec((1, 1, 1, tnb), lambda b, j: (b, j, 0, 0)),
        ],
        out_specs=pl.BlockSpec((1, d, tnb), lambda b, j: (b, 0, j)),
        out_shape=jax.ShapeDtypeStruct((bsz, d, hw), jnp.float32),
        compiler_params=pltpu.CompilerParams(
            dimension_semantics=("parallel", "arbitrary")),
        interpret=_INTERPRET,
    )(sr, qr, mr)
    return out.reshape(bsz, d, h, w)


def _level_prep(q, cbk, strength, u):
    bsz, d, h, w = q.shape
    hw = h * w
    k = cbk.shape[0]
    flat = jnp.transpose(q, (0, 2, 3, 1)).reshape(bsz, hw, d)
    z2 = jnp.sum(flat ** 2, axis=-1)
    c2 = jnp.sum(cbk ** 2, axis=-1)
    skip = int(0.05 * k)
    s = strength.reshape(())
    n = jnp.maximum(jnp.floor(s * (k - skip)).astype(jnp.int32), 1)
    offs = jnp.floor(u * n.astype(jnp.float32)).astype(jnp.int32)
    pos = jnp.minimum(skip + offs, k - 1)
    return flat, z2, c2, pos


def _level(q, cbk, strength, u, mask2d):
    flat, z2, c2, pos = _level_prep(q, cbk, strength, u)
    idx = _run_select(q, cbk, c2, z2, pos, min(2048, q.shape[2] * q.shape[3]))
    sampled_nd = _sc_gather(cbk, idx)
    return _run_blend(sampled_nd, q, mask2d, min(4096, q.shape[2] * q.shape[3]))


def kernel(q_fine, q_coarse, M, cb_fine, cb_coarse, strength_fine, strength_coarse):
    M_float = M.astype(jnp.float32)
    fh, fw = q_fine.shape[-2], q_fine.shape[-1]
    ch, cw = q_coarse.shape[-2], q_coarse.shape[-1]
    mh, mw = M.shape[-2], M.shape[-1]
    m_fine = M_float[:, 0, :: mh // fh, :: mw // fw].reshape(M.shape[0], fh * fw)
    m_coarse = M_float[:, 0, :: mh // ch, :: mw // cw].reshape(M.shape[0], ch * cw)

    key = jax.random.key(42)
    kc, kf = jax.random.split(key)
    bsz = q_fine.shape[0]
    u_c = jax.random.uniform(kc, (bsz, ch * cw))
    u_f = jax.random.uniform(kf, (bsz, fh * fw))

    out_c = _level(q_coarse, cb_coarse, strength_coarse, u_c, m_coarse)
    out_f = _level(q_fine, cb_fine, strength_fine, u_f, m_fine)
    return (out_f, out_c)

# --- scband reference (transcript-rebuilt; emitter-appended) ---
"""Pipeline reference for scband-anomaly-generation-5506148074191 (READ-ONLY COPY).

The authoritative reference and input builder live on the scoring server;
editing this copy changes nothing except your own understanding.
"""

import jax, jax.numpy as jnp
import numpy as np

B = 8
D = 128
K = 1024
FH, FW = 64, 128
CH, CW = 32, 64
MH, MW = 128, 256


def _resize_nearest(m, out_h, out_w):
    in_h, in_w = m.shape[-2], m.shape[-1]
    hi = (jnp.arange(out_h) * in_h) // out_h
    wi = (jnp.arange(out_w) * in_w) // out_w
    return m[:, :, hi[:, None], wi[None, :]]


def _gen_distant(z, q, codebook, mask, strength, key):
    b, d, h, w = q.shape
    k = codebook.shape[0]
    flat = jnp.transpose(z, (0, 2, 3, 1)).reshape(b, h * w, d)
    d2 = (jnp.sum(flat ** 2, axis=-1, keepdims=True)
          + jnp.sum(codebook ** 2, axis=-1)[None, None, :]
          - 2.0 * jnp.einsum('bnd,kd->bnk', flat, codebook))
    order = jnp.argsort(d2, axis=-1)  # ascending distance: closest codes first
    skip = int(0.05 * k)  # skip closest 5% of codebook
    s = jax.lax.stop_gradient(strength).reshape(())
    n = jnp.maximum(jnp.floor(s * (k - skip)).astype(jnp.int32), 1)
    u = jax.random.uniform(key, (b, h * w))
    offs = jnp.floor(u * n.astype(jnp.float32)).astype(jnp.int32)
    pos = skip + offs  # rank within similarity-ordered subset; strength controls distance
    idx = jnp.take_along_axis(order, pos[:, :, None], axis=-1)[:, :, 0]
    sampled = jnp.take(codebook, idx, axis=0)
    sampled = jnp.transpose(sampled.reshape(b, h, w, d), (0, 3, 1, 2))
    return mask * sampled + (1.0 - mask) * q


def setup_inputs(seed: int = 0):
    key = jax.random.key(seed)
    ks = jax.random.split(key, 8)
    q_fine = jax.random.normal(ks[0], (B, D, FH, FW), dtype=jnp.float32)
    q_coarse = jax.random.normal(ks[1], (B, D, CH, CW), dtype=jnp.float32)
    M = jax.random.uniform(ks[2], (B, 1, MH, MW), dtype=jnp.float32)
    cb_fine = jax.random.normal(ks[3], (K, D), dtype=jnp.float32)
    cb_coarse = jax.random.normal(ks[4], (K, D), dtype=jnp.float32)
    strength_fine = jax.random.uniform(ks[5], (1,), dtype=jnp.float32, minval=0.2, maxval=1.0)
    strength_coarse = jax.random.uniform(ks[6], (1,), dtype=jnp.float32, minval=0.2, maxval=1.0)
    return {"q_fine": q_fine, "q_coarse": q_coarse, "M": M,
            "cb_fine": cb_fine, "cb_coarse": cb_coarse,
            "strength_fine": strength_fine, "strength_coarse": strength_coarse}


def reference(q_fine, q_coarse, M, cb_fine, cb_coarse, strength_fine, strength_coarse):
    M_float = M.astype(jnp.float32)
    M_fine = _resize_nearest(M_float, q_fine.shape[-2], q_fine.shape[-1])
    M_coarse = _resize_nearest(M_float, q_coarse.shape[-2], q_coarse.shape[-1])
    key = jax.random.key(42)
    kc, kf = jax.random.split(key)
    q_coarse_a = _gen_distant(q_coarse, q_coarse, cb_coarse, M_coarse, strength_coarse, kc)
    q_fine_a = _gen_distant(q_fine, q_fine, cb_fine, M_fine, strength_fine, kf)
    return (q_fine_a, q_coarse_a)

if __name__ == "__main__":
    import jax
    _d = setup_inputs()
    print(jax.jit(kernel)(*tuple(_d.values())))

</pallas_src>

<mosaic_0001>
#map = affine_map<(d0, d1) -> (0, 0)>
#map1 = affine_map<(d0, d1) -> (0)>
module attributes {stable_mosaic.version = 14 : i64} {
  func.func @k(%arg0: i32, %arg1: i32, %arg2: memref<1024x128xf32, #tpu.memory_space<hbm>>, %arg3: memref<65536xi32, #tpu.memory_space<hbm>>, %arg4: memref<65536x128xf32, #tpu.memory_space<hbm>>, %arg5: memref<256xi32, #tpu.memory_space<vmem>>, %arg6: memref<256x128xf32, #tpu.memory_space<vmem>>, %arg7: memref<!tpu.dma_semaphore, #tpu.memory_space<semaphore_mem>>) attributes {dimension_semantics = [#tpu.dimension_semantics<core_parallel>, #tpu.dimension_semantics<subcore_parallel>], iteration_bounds = array<i64: 2, 16>, scalar_prefetch = 0 : i64, scratch_operands = 3 : i64, tpu.core_type = #tpu.core_type<sc_vector_subcore>, window_params = [{transform_indices = #map}, {transform_indices = #map1}, {transform_indices = #map}]} {
    %mul3A = arith.constant 2 : i32
    %mul3A_0 = arith.muli %arg1, %mul3A : i32
    %add3A = arith.addi %mul3A_0, %arg0 : i32
    %mul3A_1 = arith.constant 2048 : i32
    %mul3A_2 = arith.muli %add3A, %mul3A_1 : i32
    %add3A_3 = arith.constant 0 : i32
    %add3A_4 = arith.addi %mul3A_2, %add3A_3 : i32
    "tpu.region"() ({
      %run_scoped3A = tpu.sem_alloc : memref<!tpu.dma_semaphore, #tpu.memory_space<semaphore_mem>>
      %dma_start3A_65 = tpu.memref_slice %arg3[%add3A_4] : memref<65536xi32, #tpu.memory_space<hbm>> -> memref<256xi32, #tpu.memory_space<hbm>>
      %dma_start3A_66 = tpu.memref_slice %arg3[%add3A_4] : memref<65536xi32, #tpu.memory_space<hbm>> -> memref<256xi32, #tpu.memory_space<hbm>>
      tpu.enqueue_dma source(%dma_start3A_66 : memref<256xi32, #tpu.memory_space<hbm>>) target(%arg5 : memref<256xi32, #tpu.memory_space<vmem>>) target_semaphore(%run_scoped3A : memref<!tpu.dma_semaphore, #tpu.memory_space<semaphore_mem>>)
      %dma_wait3A_67 = tpu.memref_slice %arg3[%add3A_4] : memref<65536xi32, #tpu.memory_space<hbm>> -> memref<256xi32, #tpu.memory_space<hbm>>
      %dma_wait3A_68 = tpu.memref_slice %arg3[%add3A_4] : memref<65536xi32, #tpu.memory_space<hbm>> -> memref<256xi32, #tpu.memory_space<hbm>>
      tpu.wait_dma2 semaphore(%run_scoped3A : memref<!tpu.dma_semaphore, #tpu.memory_space<semaphore_mem>>) src(%dma_wait3A_68 : memref<256xi32, #tpu.memory_space<hbm>>) dst(%arg5 : memref<256xi32, #tpu.memory_space<vmem>>)
      tpu.yield
    }) : () -> ()
    %dma_start3A = arith.constant 0 : i32
    %dma_start3A_5 = arith.constant 0 : i32
    %dma_start3A_6 = tpu.memref_slice %arg2[%dma_start3A, %dma_start3A_5] : memref<1024x128xf32, #tpu.memory_space<hbm>> -> memref<1024x128xf32, #tpu.memory_space<hbm>>
    tpu.enqueue_indirect_dma source(%dma_start3A_6 : memref<1024x128xf32, #tpu.memory_space<hbm>>) target(%arg6 : memref<256x128xf32, #tpu.memory_space<vmem>>) offsets(%arg5 : memref<256xi32, #tpu.memory_space<vmem>>) semaphore(%arg7 : memref<!tpu.dma_semaphore, #tpu.memory_space<semaphore_mem>>)
    %dma_wait3A = arith.constant 0 : i32
    %dma_wait3A_7 = arith.constant 0 : i32
    %dma_wait3A_8 = tpu.memref_slice %arg2[%dma_wait3A, %dma_wait3A_7] : memref<1024x128xf32, #tpu.memory_space<hbm>> -> memref<1024x128xf32, #tpu.memory_space<hbm>>
    tpu.wait_indirect_dma semaphore(%arg7 : memref<!tpu.dma_semaphore, #tpu.memory_space<semaphore_mem>>) src(%dma_wait3A_8 : memref<1024x128xf32, #tpu.memory_space<hbm>>) dst(%arg6 : memref<256x128xf32, #tpu.memory_space<vmem>>)
    "tpu.region"() ({
      %run_scoped3A = tpu.sem_alloc : memref<!tpu.dma_semaphore, #tpu.memory_space<semaphore_mem>>
      %dma_start3A_65 = arith.constant 0 : i32
      %dma_start3A_66 = tpu.memref_slice %arg4[%add3A_4, %dma_start3A_65] : memref<65536x128xf32, #tpu.memory_space<hbm>> -> memref<256x128xf32, #tpu.memory_space<hbm>>
      %dma_start3A_67 = arith.constant 0 : i32
      %dma_start3A_68 = tpu.memref_slice %arg4[%add3A_4, %dma_start3A_67] : memref<65536x128xf32, #tpu.memory_space<hbm>> -> memref<256x128xf32, #tpu.memory_space<hbm>>
      tpu.enqueue_dma source(%arg6 : memref<256x128xf32, #tpu.memory_space<vmem>>) target(%dma_start3A_68 : memref<256x128xf32, #tpu.memory_space<hbm>>) target_semaphore(%run_scoped3A : memref<!tpu.dma_semaphore, #tpu.memory_space<semaphore_mem>>)
      %dma_wait3A_69 = arith.constant 0 : i32
      %dma_wait3A_70 = tpu.memref_slice %arg4[%add3A_4, %dma_wait3A_69] : memref<65536x128xf32, #tpu.memory_space<hbm>> -> memref<256x128xf32, #tpu.memory_space<hbm>>
      %dma_wait3A_71 = arith.constant 0 : i32
      %dma_wait3A_72 = tpu.memref_slice %arg4[%add3A_4, %dma_wait3A_71] : memref<65536x128xf32, #tpu.memory_space<hbm>> -> memref<256x128xf32, #tpu.memory_space<hbm>>
      tpu.wait_dma2 semaphore(%run_scoped3A : memref<!tpu.dma_semaphore, #tpu.memory_space<semaphore_mem>>) src(%arg6 : memref<256x128xf32, #tpu.memory_space<vmem>>) dst(%dma_wait3A_72 : memref<256x128xf32, #tpu.memory_space<hbm>>)
      tpu.yield
    }) : () -> ()
    %add3A_9 = arith.constant 256 : i32
    %add3A_10 = arith.addi %mul3A_2, %add3A_9 : i32
    "tpu.region"() ({
      %run_scoped3A = tpu.sem_alloc : memref<!tpu.dma_semaphore, #tpu.memory_space<semaphore_mem>>
      %dma_start3A_65 = tpu.memref_slice %arg3[%add3A_10] : memref<65536xi32, #tpu.memory_space<hbm>> -> memref<256xi32, #tpu.memory_space<hbm>>
      %dma_start3A_66 = tpu.memref_slice %arg3[%add3A_10] : memref<65536xi32, #tpu.memory_space<hbm>> -> memref<256xi32, #tpu.memory_space<hbm>>
      tpu.enqueue_dma source(%dma_start3A_66 : memref<256xi32, #tpu.memory_space<hbm>>) target(%arg5 : memref<256xi32, #tpu.memory_space<vmem>>) target_semaphore(%run_scoped3A : memref<!tpu.dma_semaphore, #tpu.memory_space<semaphore_mem>>)
      %dma_wait3A_67 = tpu.memref_slice %arg3[%add3A_10] : memref<65536xi32, #tpu.memory_space<hbm>> -> memref<256xi32, #tpu.memory_space<hbm>>
      %dma_wait3A_68 = tpu.memref_slice %arg3[%add3A_10] : memref<65536xi32, #tpu.memory_space<hbm>> -> memref<256xi32, #tpu.memory_space<hbm>>
      tpu.wait_dma2 semaphore(%run_scoped3A : memref<!tpu.dma_semaphore, #tpu.memory_space<semaphore_mem>>) src(%dma_wait3A_68 : memref<256xi32, #tpu.memory_space<hbm>>) dst(%arg5 : memref<256xi32, #tpu.memory_space<vmem>>)
      tpu.yield
    }) : () -> ()
    %dma_start3A_11 = arith.constant 0 : i32
    %dma_start3A_12 = arith.constant 0 : i32
    %dma_start3A_13 = tpu.memref_slice %arg2[%dma_start3A_11, %dma_start3A_12] : memref<1024x128xf32, #tpu.memory_space<hbm>> -> memref<1024x128xf32, #tpu.memory_space<hbm>>
    tpu.enqueue_indirect_dma source(%dma_start3A_13 : memref<1024x128xf32, #tpu.memory_space<hbm>>) target(%arg6 : memref<256x128xf32, #tpu.memory_space<vmem>>) offsets(%arg5 : memref<256xi32, #tpu.memory_space<vmem>>) semaphore(%arg7 : memref<!tpu.dma_semaphore, #tpu.memory_space<semaphore_mem>>)
    %dma_wait3A_14 = arith.constant 0 : i32
    %dma_wait3A_15 = arith.constant 0 : i32
    %dma_wait3A_16 = tpu.memref_slice %arg2[%dma_wait3A_14, %dma_wait3A_15] : memref<1024x128xf32, #tpu.memory_space<hbm>> -> memref<1024x128xf32, #tpu.memory_space<hbm>>
    tpu.wait_indirect_dma semaphore(%arg7 : memref<!tpu.dma_semaphore, #tpu.memory_space<semaphore_mem>>) src(%dma_wait3A_16 : memref<1024x128xf32, #tpu.memory_space<hbm>>) dst(%arg6 : memref<256x128xf32, #tpu.memory_space<vmem>>)
    "tpu.region"() ({
      %run_scoped3A = tpu.sem_alloc : memref<!tpu.dma_semaphore, #tpu.memory_space<semaphore_mem>>
      %dma_start3A_65 = arith.constant 0 : i32
      %dma_start3A_66 = tpu.memref_slice %arg4[%add3A_10, %dma_start3A_65] : memref<65536x128xf32, #tpu.memory_space<hbm>> -> memref<256x128xf32, #tpu.memory_space<hbm>>
      %dma_start3A_67 = arith.constant 0 : i32
      %dma_start3A_68 = tpu.memref_slice %arg4[%add3A_10, %dma_start3A_67] : memref<65536x128xf32, #tpu.memory_space<hbm>> -> memref<256x128xf32, #tpu.memory_space<hbm>>
      tpu.enqueue_dma source(%arg6 : memref<256x128xf32, #tpu.memory_space<vmem>>) target(%dma_start3A_68 : memref<256x128xf32, #tpu.memory_space<hbm>>) target_semaphore(%run_scoped3A : memref<!tpu.dma_semaphore, #tpu.memory_space<semaphore_mem>>)
      %dma_wait3A_69 = arith.constant 0 : i32
      %dma_wait3A_70 = tpu.memref_slice %arg4[%add3A_10, %dma_wait3A_69] : memref<65536x128xf32, #tpu.memory_space<hbm>> -> memref<256x128xf32, #tpu.memory_space<hbm>>
      %dma_wait3A_71 = arith.constant 0 : i32
      %dma_wait3A_72 = tpu.memref_slice %arg4[%add3A_10, %dma_wait3A_71] : memref<65536x128xf32, #tpu.memory_space<hbm>> -> memref<256x128xf32, #tpu.memory_space<hbm>>
      tpu.wait_dma2 semaphore(%run_scoped3A : memref<!tpu.dma_semaphore, #tpu.memory_space<semaphore_mem>>) src(%arg6 : memref<256x128xf32, #tpu.memory_space<vmem>>) dst(%dma_wait3A_72 : memref<256x128xf32, #tpu.memory_space<hbm>>)
      tpu.yield
    }) : () -> ()
    %add3A_17 = arith.constant 512 : i32
    %add3A_18 = arith.addi %mul3A_2, %add3A_17 : i32
    "tpu.region"() ({
      %run_scoped3A = tpu.sem_alloc : memref<!tpu.dma_semaphore, #tpu.memory_space<semaphore_mem>>
      %dma_start3A_65 = tpu.memref_slice %arg3[%add3A_18] : memref<65536xi32, #tpu.memory_space<hbm>> -> memref<256xi32, #tpu.memory_space<hbm>>
      %dma_start3A_66 = tpu.memref_slice %arg3[%add3A_18] : memref<65536xi32, #tpu.memory_space<hbm>> -> memref<256xi32, #tpu.memory_space<hbm>>
      tpu.enqueue_dma source(%dma_start3A_66 : memref<256xi32, #tpu.memory_space<hbm>>) target(%arg5 : memref<256xi32, #tpu.memory_space<vmem>>) target_semaphore(%run_scoped3A : memref<!tpu.dma_semaphore, #tpu.memory_space<semaphore_mem>>)
      %dma_wait3A_67 = tpu.memref_slice %arg3[%add3A_18] : memref<65536xi32, #tpu.memory_space<hbm>> -> memref<256xi32, #tpu.memory_space<hbm>>
      %dma_wait3A_68 = tpu.memref_slice %arg3[%add3A_18] : memref<65536xi32, #tpu.memory_space<hbm>> -> memref<256xi32, #tpu.memory_space<hbm>>
      tpu.wait_dma2 semaphore(%run_scoped3A : memref<!tpu.dma_semaphore, #tpu.memory_space<semaphore_mem>>) src(%dma_wait3A_68 : memref<256xi32, #tpu.memory_space<hbm>>) dst(%arg5 : memref<256xi32, #tpu.memory_space<vmem>>)
      tpu.yield
    }) : () -> ()
    %dma_start3A_19 = arith.constant 0 : i32
    %dma_start3A_20 = arith.constant 0 : i32
    %dma_start3A_21 = tpu.memref_slice %arg2[%dma_start3A_19, %dma_start3A_20] : memref<1024x128xf32, #tpu.memory_space<hbm>> -> memref<1024x128xf32, #tpu.memory_space<hbm>>
    tpu.enqueue_indirect_dma source(%dma_start3A_21 : memref<1024x128xf32, #tpu.memory_space<hbm>>) target(%arg6 : memref<256x128xf32, #tpu.memory_space<vmem>>) offsets(%arg5 : memref<256xi32, #tpu.memory_space<vmem>>) semaphore(%arg7 : memref<!tpu.dma_semaphore, #tpu.memory_space<semaphore_mem>>)
    %dma_wait3A_22 = arith.constant 0 : i32
    %dma_wait3A_23 = arith.constant 0 : i32
    %dma_wait3A_24 = tpu.memref_slice %arg2[%dma_wait3A_22, %dma_wait3A_23] : memref<1024x128xf32, #tpu.memory_space<hbm>> -> memref<1024x128xf32, #tpu.memory_space<hbm>>
    tpu.wait_indirect_dma semaphore(%arg7 : memref<!tpu.dma_semaphore, #tpu.memory_space<semaphore_mem>>) src(%dma_wait3A_24 : memref<1024x128xf32, #tpu.memory_space<hbm>>) dst(%arg6 : memref<256x128xf32, #tpu.memory_space<vmem>>)
    "tpu.region"() ({
      %run_scoped3A = tpu.sem_alloc : memref<!tpu.dma_semaphore, #tpu.memory_space<semaphore_mem>>
      %dma_start3A_65 = arith.constant 0 : i32
      %dma_start3A_66 = tpu.memref_slice %arg4[%add3A_18, %dma_start3A_65] : memref<65536x128xf32, #tpu.memory_space<hbm>> -> memref<256x128xf32, #tpu.memory_space<hbm>>
      %dma_start3A_67 = arith.constant 0 : i32
      %dma_start3A_68 = tpu.memref_slice %arg4[%add3A_18, %dma_start3A_67] : memref<65536x128xf32, #tpu.memory_space<hbm>> -> memref<256x128xf32, #tpu.memory_space<hbm>>
      tpu.enqueue_dma source(%arg6 : memref<256x128xf32, #tpu.memory_space<vmem>>) target(%dma_start3A_68 : memref<256x128xf32, #tpu.memory_space<hbm>>) target_semaphore(%run_scoped3A : memref<!tpu.dma_semaphore, #tpu.memory_space<semaphore_mem>>)
      %dma_wait3A_69 = arith.constant 0 : i32
      %dma_wait3A_70 = tpu.memref_slice %arg4[%add3A_18, %dma_wait3A_69] : memref<65536x128xf32, #tpu.memory_space<hbm>> -> memref<256x128xf32, #tpu.memory_space<hbm>>
      %dma_wait3A_71 = arith.constant 0 : i32
      %dma_wait3A_72 = tpu.memref_slice %arg4[%add3A_18, %dma_wait3A_71] : memref<65536x128xf32, #tpu.memory_space<hbm>> -> memref<256x128xf32, #tpu.memory_space<hbm>>
      tpu.wait_dma2 semaphore(%run_scoped3A : memref<!tpu.dma_semaphore, #tpu.memory_space<semaphore_mem>>) src(%arg6 : memref<256x128xf32, #tpu.memory_space<vmem>>) dst(%dma_wait3A_72 : memref<256x128xf32, #tpu.memory_space<hbm>>)
      tpu.yield
    }) : () -> ()
    %add3A_25 = arith.constant 768 : i32
    %add3A_26 = arith.addi %mul3A_2, %add3A_25 : i32
    "tpu.region"() ({
      %run_scoped3A = tpu.sem_alloc : memref<!tpu.dma_semaphore, #tpu.memory_space<semaphore_mem>>
      %dma_start3A_65 = tpu.memref_slice %arg3[%add3A_26] : memref<65536xi32, #tpu.memory_space<hbm>> -> memref<256xi32, #tpu.memory_space<hbm>>
      %dma_start3A_66 = tpu.memref_slice %arg3[%add3A_26] : memref<65536xi32, #tpu.memory_space<hbm>> -> memref<256xi32, #tpu.memory_space<hbm>>
      tpu.enqueue_dma source(%dma_start3A_66 : memref<256xi32, #tpu.memory_space<hbm>>) target(%arg5 : memref<256xi32, #tpu.memory_space<vmem>>) target_semaphore(%run_scoped3A : memref<!tpu.dma_semaphore, #tpu.memory_space<semaphore_mem>>)
      %dma_wait3A_67 = tpu.memref_slice %arg3[%add3A_26] : memref<65536xi32, #tpu.memory_space<hbm>> -> memref<256xi32, #tpu.memory_space<hbm>>
      %dma_wait3A_68 = tpu.memref_slice %arg3[%add3A_26] : memref<65536xi32, #tpu.memory_space<hbm>> -> memref<256xi32, #tpu.memory_space<hbm>>
      tpu.wait_dma2 semaphore(%run_scoped3A : memref<!tpu.dma_semaphore, #tpu.memory_space<semaphore_mem>>) src(%dma_wait3A_68 : memref<256xi32, #tpu.memory_space<hbm>>) dst(%arg5 : memref<256xi32, #tpu.memory_space<vmem>>)
      tpu.yield
    }) : () -> ()
    %dma_start3A_27 = arith.constant 0 : i32
    %dma_start3A_28 = arith.constant 0 : i32
    %dma_start3A_29 = tpu.memref_slice %arg2[%dma_start3A_27, %dma_start3A_28] : memref<1024x128xf32, #tpu.memory_space<hbm>> -> memref<1024x128xf32, #tpu.memory_space<hbm>>
    tpu.enqueue_indirect_dma source(%dma_start3A_29 : memref<1024x128xf32, #tpu.memory_space<hbm>>) target(%arg6 : memref<256x128xf32, #tpu.memory_space<vmem>>) offsets(%arg5 : memref<256xi32, #tpu.memory_space<vmem>>) semaphore(%arg7 : memref<!tpu.dma_semaphore, #tpu.memory_space<semaphore_mem>>)
    %dma_wait3A_30 = arith.constant 0 : i32
    %dma_wait3A_31 = arith.constant 0 : i32
    %dma_wait3A_32 = tpu.memref_slice %arg2[%dma_wait3A_30, %dma_wait3A_31] : memref<1024x128xf32, #tpu.memory_space<hbm>> -> memref<1024x128xf32, #tpu.memory_space<hbm>>
    tpu.wait_indirect_dma semaphore(%arg7 : memref<!tpu.dma_semaphore, #tpu.memory_space<semaphore_mem>>) src(%dma_wait3A_32 : memref<1024x128xf32, #tpu.memory_space<hbm>>) dst(%arg6 : memref<256x128xf32, #tpu.memory_space<vmem>>)
    "tpu.region"() ({
      %run_scoped3A = tpu.sem_alloc : memref<!tpu.dma_semaphore, #tpu.memory_space<semaphore_mem>>
      %dma_start3A_65 = arith.constant 0 : i32
      %dma_start3A_66 = tpu.memref_slice %arg4[%add3A_26, %dma_start3A_65] : memref<65536x128xf32, #tpu.memory_space<hbm>> -> memref<256x128xf32, #tpu.memory_space<hbm>>
      %dma_start3A_67 = arith.constant 0 : i32
      %dma_start3A_68 = tpu.memref_slice %arg4[%add3A_26, %dma_start3A_67] : memref<65536x128xf32, #tpu.memory_space<hbm>> -> memref<256x128xf32, #tpu.memory_space<hbm>>
      tpu.enqueue_dma source(%arg6 : memref<256x128xf32, #tpu.memory_space<vmem>>) target(%dma_start3A_68 : memref<256x128xf32, #tpu.memory_space<hbm>>) target_semaphore(%run_scoped3A : memref<!tpu.dma_semaphore, #tpu.memory_space<semaphore_mem>>)
      %dma_wait3A_69 = arith.constant 0 : i32
      %dma_wait3A_70 = tpu.memref_slice %arg4[%add3A_26, %dma_wait3A_69] : memref<65536x128xf32, #tpu.memory_space<hbm>> -> memref<256x128xf32, #tpu.memory_space<hbm>>
      %dma_wait3A_71 = arith.constant 0 : i32
      %dma_wait3A_72 = tpu.memref_slice %arg4[%add3A_26, %dma_wait3A_71] : memref<65536x128xf32, #tpu.memory_space<hbm>> -> memref<256x128xf32, #tpu.memory_space<hbm>>
      tpu.wait_dma2 semaphore(%run_scoped3A : memref<!tpu.dma_semaphore, #tpu.memory_space<semaphore_mem>>) src(%arg6 : memref<256x128xf32, #tpu.memory_space<vmem>>) dst(%dma_wait3A_72 : memref<256x128xf32, #tpu.memory_space<hbm>>)
      tpu.yield
    }) : () -> ()
    %add3A_33 = arith.constant 1024 : i32
    %add3A_34 = arith.addi %mul3A_2, %add3A_33 : i32
    "tpu.region"() ({
      %run_scoped3A = tpu.sem_alloc : memref<!tpu.dma_semaphore, #tpu.memory_space<semaphore_mem>>
      %dma_start3A_65 = tpu.memref_slice %arg3[%add3A_34] : memref<65536xi32, #tpu.memory_space<hbm>> -> memref<256xi32, #tpu.memory_space<hbm>>
      %dma_start3A_66 = tpu.memref_slice %arg3[%add3A_34] : memref<65536xi32, #tpu.memory_space<hbm>> -> memref<256xi32, #tpu.memory_space<hbm>>
      tpu.enqueue_dma source(%dma_start3A_66 : memref<256xi32, #tpu.memory_space<hbm>>) target(%arg5 : memref<256xi32, #tpu.memory_space<vmem>>) target_semaphore(%run_scoped3A : memref<!tpu.dma_semaphore, #tpu.memory_space<semaphore_mem>>)
      %dma_wait3A_67 = tpu.memref_slice %arg3[%add3A_34] : memref<65536xi32, #tpu.memory_space<hbm>> -> memref<256xi32, #tpu.memory_space<hbm>>
      %dma_wait3A_68 = tpu.memref_slice %arg3[%add3A_34] : memref<65536xi32, #tpu.memory_space<hbm>> -> memref<256xi32, #tpu.memory_space<hbm>>
      tpu.wait_dma2 semaphore(%run_scoped3A : memref<!tpu.dma_semaphore, #tpu.memory_space<semaphore_mem>>) src(%dma_wait3A_68 : memref<256xi32, #tpu.memory_space<hbm>>) dst(%arg5 : memref<256xi32, #tpu.memory_space<vmem>>)
      tpu.yield
    }) : () -> ()
    %dma_start3A_35 = arith.constant 0 : i32
    %dma_start3A_36 = arith.constant 0 : i32
    %dma_start3A_37 = tpu.memref_slice %arg2[%dma_start3A_35, %dma_start3A_36] : memref<1024x128xf32, #tpu.memory_space<hbm>> -> memref<1024x128xf32, #tpu.memory_space<hbm>>
    tpu.enqueue_indirect_dma source(%dma_start3A_37 : memref<1024x128xf32, #tpu.memory_space<hbm>>) target(%arg6 : memref<256x128xf32, #tpu.memory_space<vmem>>) offsets(%arg5 : memref<256xi32, #tpu.memory_space<vmem>>) semaphore(%arg7 : memref<!tpu.dma_semaphore, #tpu.memory_space<semaphore_mem>>)
    %dma_wait3A_38 = arith.constant 0 : i32
    %dma_wait3A_39 = arith.constant 0 : i32
    %dma_wait3A_40 = tpu.memref_slice %arg2[%dma_wait3A_38, %dma_wait3A_39] : memref<1024x128xf32, #tpu.memory_space<hbm>> -> memref<1024x128xf32, #tpu.memory_space<hbm>>
    tpu.wait_indirect_dma semaphore(%arg7 : memref<!tpu.dma_semaphore, #tpu.memory_space<semaphore_mem>>) src(%dma_wait3A_40 : memref<1024x128xf32, #tpu.memory_space<hbm>>) dst(%arg6 : memref<256x128xf32, #tpu.memory_space<vmem>>)
    "tpu.region"() ({
      %run_scoped3A = tpu.sem_alloc : memref<!tpu.dma_semaphore, #tpu.memory_space<semaphore_mem>>
      %dma_start3A_65 = arith.constant 0 : i32
      %dma_start3A_66 = tpu.memref_slice %arg4[%add3A_34, %dma_start3A_65] : memref<65536x128xf32, #tpu.memory_space<hbm>> -> memref<256x128xf32, #tpu.memory_space<hbm>>
      %dma_start3A_67 = arith.constant 0 : i32
      %dma_start3A_68 = tpu.memref_slice %arg4[%add3A_34, %dma_start3A_67] : memref<65536x128xf32, #tpu.memory_space<hbm>> -> memref<256x128xf32, #tpu.memory_space<hbm>>
      tpu.enqueue_dma source(%arg6 : memref<256x128xf32, #tpu.memory_space<vmem>>) target(%dma_start3A_68 : memref<256x128xf32, #tpu.memory_space<hbm>>) target_semaphore(%run_scoped3A : memref<!tpu.dma_semaphore, #tpu.memory_space<semaphore_mem>>)
      %dma_wait3A_69 = arith.constant 0 : i32
      %dma_wait3A_70 = tpu.memref_slice %arg4[%add3A_34, %dma_wait3A_69] : memref<65536x128xf32, #tpu.memory_space<hbm>> -> memref<256x128xf32, #tpu.memory_space<hbm>>
      %dma_wait3A_71 = arith.constant 0 : i32
      %dma_wait3A_72 = tpu.memref_slice %arg4[%add3A_34, %dma_wait3A_71] : memref<65536x128xf32, #tpu.memory_space<hbm>> -> memref<256x128xf32, #tpu.memory_space<hbm>>
      tpu.wait_dma2 semaphore(%run_scoped3A : memref<!tpu.dma_semaphore, #tpu.memory_space<semaphore_mem>>) src(%arg6 : memref<256x128xf32, #tpu.memory_space<vmem>>) dst(%dma_wait3A_72 : memref<256x128xf32, #tpu.memory_space<hbm>>)
      tpu.yield
    }) : () -> ()
    %add3A_41 = arith.constant 1280 : i32
    %add3A_42 = arith.addi %mul3A_2, %add3A_41 : i32
    "tpu.region"() ({
      %run_scoped3A = tpu.sem_alloc : memref<!tpu.dma_semaphore, #tpu.memory_space<semaphore_mem>>
      %dma_start3A_65 = tpu.memref_slice %arg3[%add3A_42] : memref<65536xi32, #tpu.memory_space<hbm>> -> memref<256xi32, #tpu.memory_space<hbm>>
      %dma_start3A_66 = tpu.memref_slice %arg3[%add3A_42] : memref<65536xi32, #tpu.memory_space<hbm>> -> memref<256xi32, #tpu.memory_space<hbm>>
      tpu.enqueue_dma source(%dma_start3A_66 : memref<256xi32, #tpu.memory_space<hbm>>) target(%arg5 : memref<256xi32, #tpu.memory_space<vmem>>) target_semaphore(%run_scoped3A : memref<!tpu.dma_semaphore, #tpu.memory_space<semaphore_mem>>)
      %dma_wait3A_67 = tpu.memref_slice %arg3[%add3A_42] : memref<65536xi32, #tpu.memory_space<hbm>> -> memref<256xi32, #tpu.memory_space<hbm>>
      %dma_wait3A_68 = tpu.memref_slice %arg3[%add3A_42] : memref<65536xi32, #tpu.memory_space<hbm>> -> memref<256xi32, #tpu.memory_space<hbm>>
      tpu.wait_dma2 semaphore(%run_scoped3A : memref<!tpu.dma_semaphore, #tpu.memory_space<semaphore_mem>>) src(%dma_wait3A_68 : memref<256xi32, #tpu.memory_space<hbm>>) dst(%arg5 : memref<256xi32, #tpu.memory_space<vmem>>)
      tpu.yield
    }) : () -> ()
    %dma_start3A_43 = arith.constant 0 : i32
    %dma_start3A_44 = arith.constant 0 : i32
    %dma_start3A_45 = tpu.memref_slice %arg2[%dma_start3A_43, %dma_start3A_44] : memref<1024x128xf32, #tpu.memory_space<hbm>> -> memref<1024x128xf32, #tpu.memory_space<hbm>>
    tpu.enqueue_indirect_dma source(%dma_start3A_45 : memref<1024x128xf32, #tpu.memory_space<hbm>>) target(%arg6 : memref<256x128xf32, #tpu.memory_space<vmem>>) offsets(%arg5 : memref<256xi32, #tpu.memory_space<vmem>>) semaphore(%arg7 : memref<!tpu.dma_semaphore, #tpu.memory_space<semaphore_mem>>)
    %dma_wait3A_46 = arith.constant 0 : i32
    %dma_wait3A_47 = arith.constant 0 : i32
    %dma_wait3A_48 = tpu.memref_slice %arg2[%dma_wait3A_46, %dma_wait3A_47] : memref<1024x128xf32, #tpu.memory_space<hbm>> -> memref<1024x128xf32, #tpu.memory_space<hbm>>
    tpu.wait_indirect_dma semaphore(%arg7 : memref<!tpu.dma_semaphore, #tpu.memory_space<semaphore_mem>>) src(%dma_wait3A_48 : memref<1024x128xf32, #tpu.memory_space<hbm>>) dst(%arg6 : memref<256x128xf32, #tpu.memory_space<vmem>>)
    "tpu.region"() ({
      %run_scoped3A = tpu.sem_alloc : memref<!tpu.dma_semaphore, #tpu.memory_space<semaphore_mem>>
      %dma_start3A_65 = arith.constant 0 : i32
      %dma_start3A_66 = tpu.memref_slice %arg4[%add3A_42, %dma_start3A_65] : memref<65536x128xf32, #tpu.memory_space<hbm>> -> memref<256x128xf32, #tpu.memory_space<hbm>>
      %dma_start3A_67 = arith.constant 0 : i32
      %dma_start3A_68 = tpu.memref_slice %arg4[%add3A_42, %dma_start3A_67] : memref<65536x128xf32, #tpu.memory_space<hbm>> -> memref<256x128xf32, #tpu.memory_space<hbm>>
      tpu.enqueue_dma source(%arg6 : memref<256x128xf32, #tpu.memory_space<vmem>>) target(%dma_start3A_68 : memref<256x128xf32, #tpu.memory_space<hbm>>) target_semaphore(%run_scoped3A : memref<!tpu.dma_semaphore, #tpu.memory_space<semaphore_mem>>)
      %dma_wait3A_69 = arith.constant 0 : i32
      %dma_wait3A_70 = tpu.memref_slice %arg4[%add3A_42, %dma_wait3A_69] : memref<65536x128xf32, #tpu.memory_space<hbm>> -> memref<256x128xf32, #tpu.memory_space<hbm>>
      %dma_wait3A_71 = arith.constant 0 : i32
      %dma_wait3A_72 = tpu.memref_slice %arg4[%add3A_42, %dma_wait3A_71] : memref<65536x128xf32, #tpu.memory_space<hbm>> -> memref<256x128xf32, #tpu.memory_space<hbm>>
      tpu.wait_dma2 semaphore(%run_scoped3A : memref<!tpu.dma_semaphore, #tpu.memory_space<semaphore_mem>>) src(%arg6 : memref<256x128xf32, #tpu.memory_space<vmem>>) dst(%dma_wait3A_72 : memref<256x128xf32, #tpu.memory_space<hbm>>)
      tpu.yield
    }) : () -> ()
    %add3A_49 = arith.constant 1536 : i32
    %add3A_50 = arith.addi %mul3A_2, %add3A_49 : i32
    "tpu.region"() ({
      %run_scoped3A = tpu.sem_alloc : memref<!tpu.dma_semaphore, #tpu.memory_space<semaphore_mem>>
      %dma_start3A_65 = tpu.memref_slice %arg3[%add3A_50] : memref<65536xi32, #tpu.memory_space<hbm>> -> memref<256xi32, #tpu.memory_space<hbm>>
      %dma_start3A_66 = tpu.memref_slice %arg3[%add3A_50] : memref<65536xi32, #tpu.memory_space<hbm>> -> memref<256xi32, #tpu.memory_space<hbm>>
      tpu.enqueue_dma source(%dma_start3A_66 : memref<256xi32, #tpu.memory_space<hbm>>) target(%arg5 : memref<256xi32, #tpu.memory_space<vmem>>) target_semaphore(%run_scoped3A : memref<!tpu.dma_semaphore, #tpu.memory_space<semaphore_mem>>)
      %dma_wait3A_67 = tpu.memref_slice %arg3[%add3A_50] : memref<65536xi32, #tpu.memory_space<hbm>> -> memref<256xi32, #tpu.memory_space<hbm>>
      %dma_wait3A_68 = tpu.memref_slice %arg3[%add3A_50] : memref<65536xi32, #tpu.memory_space<hbm>> -> memref<256xi32, #tpu.memory_space<hbm>>
      tpu.wait_dma2 semaphore(%run_scoped3A : memref<!tpu.dma_semaphore, #tpu.memory_space<semaphore_mem>>) src(%dma_wait3A_68 : memref<256xi32, #tpu.memory_space<hbm>>) dst(%arg5 : memref<256xi32, #tpu.memory_space<vmem>>)
      tpu.yield
    }) : () -> ()
    %dma_start3A_51 = arith.constant 0 : i32
    %dma_start3A_52 = arith.constant 0 : i32
    %dma_start3A_53 = tpu.memref_slice %arg2[%dma_start3A_51, %dma_start3A_52] : memref<1024x128xf32, #tpu.memory_space<hbm>> -> memref<1024x128xf32, #tpu.memory_space<hbm>>
    tpu.enqueue_indirect_dma source(%dma_start3A_53 : memref<1024x128xf32, #tpu.memory_space<hbm>>) target(%arg6 : memref<256x128xf32, #tpu.memory_space<vmem>>) offsets(%arg5 : memref<256xi32, #tpu.memory_space<vmem>>) semaphore(%arg7 : memref<!tpu.dma_semaphore, #tpu.memory_space<semaphore_mem>>)
    %dma_wait3A_54 = arith.constant 0 : i32
    %dma_wait3A_55 = arith.constant 0 : i32
    %dma_wait3A_56 = tpu.memref_slice %arg2[%dma_wait3A_54, %dma_wait3A_55] : memref<1024x128xf32, #tpu.memory_space<hbm>> -> memref<1024x128xf32, #tpu.memory_space<hbm>>
    tpu.wait_indirect_dma semaphore(%arg7 : memref<!tpu.dma_semaphore, #tpu.memory_space<semaphore_mem>>) src(%dma_wait3A_56 : memref<1024x128xf32, #tpu.memory_space<hbm>>) dst(%arg6 : memref<256x128xf32, #tpu.memory_space<vmem>>)
    "tpu.region"() ({
      %run_scoped3A = tpu.sem_alloc : memref<!tpu.dma_semaphore, #tpu.memory_space<semaphore_mem>>
      %dma_start3A_65 = arith.constant 0 : i32
      %dma_start3A_66 = tpu.memref_slice %arg4[%add3A_50, %dma_start3A_65] : memref<65536x128xf32, #tpu.memory_space<hbm>> -> memref<256x128xf32, #tpu.memory_space<hbm>>
      %dma_start3A_67 = arith.constant 0 : i32
      %dma_start3A_68 = tpu.memref_slice %arg4[%add3A_50, %dma_start3A_67] : memref<65536x128xf32, #tpu.memory_space<hbm>> -> memref<256x128xf32, #tpu.memory_space<hbm>>
      tpu.enqueue_dma source(%arg6 : memref<256x128xf32, #tpu.memory_space<vmem>>) target(%dma_start3A_68 : memref<256x128xf32, #tpu.memory_space<hbm>>) target_semaphore(%run_scoped3A : memref<!tpu.dma_semaphore, #tpu.memory_space<semaphore_mem>>)
      %dma_wait3A_69 = arith.constant 0 : i32
      %dma_wait3A_70 = tpu.memref_slice %arg4[%add3A_50, %dma_wait3A_69] : memref<65536x128xf32, #tpu.memory_space<hbm>> -> memref<256x128xf32, #tpu.memory_space<hbm>>
      %dma_wait3A_71 = arith.constant 0 : i32
      %dma_wait3A_72 = tpu.memref_slice %arg4[%add3A_50, %dma_wait3A_71] : memref<65536x128xf32, #tpu.memory_space<hbm>> -> memref<256x128xf32, #tpu.memory_space<hbm>>
      tpu.wait_dma2 semaphore(%run_scoped3A : memref<!tpu.dma_semaphore, #tpu.memory_space<semaphore_mem>>) src(%arg6 : memref<256x128xf32, #tpu.memory_space<vmem>>) dst(%dma_wait3A_72 : memref<256x128xf32, #tpu.memory_space<hbm>>)
      tpu.yield
    }) : () -> ()
    %add3A_57 = arith.constant 1792 : i32
    %add3A_58 = arith.addi %mul3A_2, %add3A_57 : i32
    "tpu.region"() ({
      %run_scoped3A = tpu.sem_alloc : memref<!tpu.dma_semaphore, #tpu.memory_space<semaphore_mem>>
      %dma_start3A_65 = tpu.memref_slice %arg3[%add3A_58] : memref<65536xi32, #tpu.memory_space<hbm>> -> memref<256xi32, #tpu.memory_space<hbm>>
      %dma_start3A_66 = tpu.memref_slice %arg3[%add3A_58] : memref<65536xi32, #tpu.memory_space<hbm>> -> memref<256xi32, #tpu.memory_space<hbm>>
      tpu.enqueue_dma source(%dma_start3A_66 : memref<256xi32, #tpu.memory_space<hbm>>) target(%arg5 : memref<256xi32, #tpu.memory_space<vmem>>) target_semaphore(%run_scoped3A : memref<!tpu.dma_semaphore, #tpu.memory_space<semaphore_mem>>)
      %dma_wait3A_67 = tpu.memref_slice %arg3[%add3A_58] : memref<65536xi32, #tpu.memory_space<hbm>> -> memref<256xi32, #tpu.memory_space<hbm>>
      %dma_wait3A_68 = tpu.memref_slice %arg3[%add3A_58] : memref<65536xi32, #tpu.memory_space<hbm>> -> memref<256xi32, #tpu.memory_space<hbm>>
      tpu.wait_dma2 semaphore(%run_scoped3A : memref<!tpu.dma_semaphore, #tpu.memory_space<semaphore_mem>>) src(%dma_wait3A_68 : memref<256xi32, #tpu.memory_space<hbm>>) dst(%arg5 : memref<256xi32, #tpu.memory_space<vmem>>)
      tpu.yield
    }) : () -> ()
    %dma_start3A_59 = arith.constant 0 : i32
    %dma_start3A_60 = arith.constant 0 : i32
    %dma_start3A_61 = tpu.memref_slice %arg2[%dma_start3A_59, %dma_start3A_60] : memref<1024x128xf32, #tpu.memory_space<hbm>> -> memref<1024x128xf32, #tpu.memory_space<hbm>>
    tpu.enqueue_indirect_dma source(%dma_start3A_61 : memref<1024x128xf32, #tpu.memory_space<hbm>>) target(%arg6 : memref<256x128xf32, #tpu.memory_space<vmem>>) offsets(%arg5 : memref<256xi32, #tpu.memory_space<vmem>>) semaphore(%arg7 : memref<!tpu.dma_semaphore, #tpu.memory_space<semaphore_mem>>)
    %dma_wait3A_62 = arith.constant 0 : i32
    %dma_wait3A_63 = arith.constant 0 : i32
    %dma_wait3A_64 = tpu.memref_slice %arg2[%dma_wait3A_62, %dma_wait3A_63] : memref<1024x128xf32, #tpu.memory_space<hbm>> -> memref<1024x128xf32, #tpu.memory_space<hbm>>
    tpu.wait_indirect_dma semaphore(%arg7 : memref<!tpu.dma_semaphore, #tpu.memory_space<semaphore_mem>>) src(%dma_wait3A_64 : memref<1024x128xf32, #tpu.memory_space<hbm>>) dst(%arg6 : memref<256x128xf32, #tpu.memory_space<vmem>>)
    "tpu.region"() ({
      %run_scoped3A = tpu.sem_alloc : memref<!tpu.dma_semaphore, #tpu.memory_space<semaphore_mem>>
      %dma_start3A_65 = arith.constant 0 : i32
      %dma_start3A_66 = tpu.memref_slice %arg4[%add3A_58, %dma_start3A_65] : memref<65536x128xf32, #tpu.memory_space<hbm>> -> memref<256x128xf32, #tpu.memory_space<hbm>>
      %dma_start3A_67 = arith.constant 0 : i32
      %dma_start3A_68 = tpu.memref_slice %arg4[%add3A_58, %dma_start3A_67] : memref<65536x128xf32, #tpu.memory_space<hbm>> -> memref<256x128xf32, #tpu.memory_space<hbm>>
      tpu.enqueue_dma source(%arg6 : memref<256x128xf32, #tpu.memory_space<vmem>>) target(%dma_start3A_68 : memref<256x128xf32, #tpu.memory_space<hbm>>) target_semaphore(%run_scoped3A : memref<!tpu.dma_semaphore, #tpu.memory_space<semaphore_mem>>)
      %dma_wait3A_69 = arith.constant 0 : i32
      %dma_wait3A_70 = tpu.memref_slice %arg4[%add3A_58, %dma_wait3A_69] : memref<65536x128xf32, #tpu.memory_space<hbm>> -> memref<256x128xf32, #tpu.memory_space<hbm>>
      %dma_wait3A_71 = arith.constant 0 : i32
      %dma_wait3A_72 = tpu.memref_slice %arg4[%add3A_58, %dma_wait3A_71] : memref<65536x128xf32, #tpu.memory_space<hbm>> -> memref<256x128xf32, #tpu.memory_space<hbm>>
      tpu.wait_dma2 semaphore(%run_scoped3A : memref<!tpu.dma_semaphore, #tpu.memory_space<semaphore_mem>>) src(%arg6 : memref<256x128xf32, #tpu.memory_space<vmem>>) dst(%dma_wait3A_72 : memref<256x128xf32, #tpu.memory_space<hbm>>)
      tpu.yield
    }) : () -> ()
    return
  }
}

#map = affine_map<(d0, d1) -> (0, 0)>
#map1 = affine_map<(d0, d1) -> (0)>
module attributes {stable_mosaic.version = 14 : i64} {
  func.func @k(%arg0: i32, %arg1: i32, %arg2: memref<1024x128xf32, #tpu.memory_space<hbm>>, %arg3: memref<16384xi32, #tpu.memory_space<hbm>>, %arg4: memref<16384x128xf32, #tpu.memory_space<hbm>>, %arg5: memref<256xi32, #tpu.memory_space<vmem>>, %arg6: memref<256x128xf32, #tpu.memory_space<vmem>>, %arg7: memref<!tpu.dma_semaphore, #tpu.memory_space<semaphore_mem>>) attributes {dimension_semantics = [#tpu.dimension_semantics<core_parallel>, #tpu.dimension_semantics<subcore_parallel>], iteration_bounds = array<i64: 2, 16>, scalar_prefetch = 0 : i64, scratch_operands = 3 : i64, tpu.core_type = #tpu.core_type<sc_vector_subcore>, window_params = [{transform_indices = #map}, {transform_indices = #map1}, {transform_indices = #map}]} {
    %mul3A = arith.constant 2 : i32
    %mul3A_0 = arith.muli %arg1, %mul3A : i32
    %add3A = arith.addi %mul3A_0, %arg0 : i32
    %mul3A_1 = arith.constant 512 : i32
    %mul3A_2 = arith.muli %add3A, %mul3A_1 : i32
    %add3A_3 = arith.constant 0 : i32
    %add3A_4 = arith.addi %mul3A_2, %add3A_3 : i32
    "tpu.region"() ({
      %run_scoped3A = tpu.sem_alloc : memref<!tpu.dma_semaphore, #tpu.memory_space<semaphore_mem>>
      %dma_start3A_17 = tpu.memref_slice %arg3[%add3A_4] : memref<16384xi32, #tpu.memory_space<hbm>> -> memref<256xi32, #tpu.memory_space<hbm>>
      %dma_start3A_18 = tpu.memref_slice %arg3[%add3A_4] : memref<16384xi32, #tpu.memory_space<hbm>> -> memref<256xi32, #tpu.memory_space<hbm>>
      tpu.enqueue_dma source(%dma_start3A_18 : memref<256xi32, #tpu.memory_space<hbm>>) target(%arg5 : memref<256xi32, #tpu.memory_space<vmem>>) target_semaphore(%run_scoped3A : memref<!tpu.dma_semaphore, #tpu.memory_space<semaphore_mem>>)
      %dma_wait3A_19 = tpu.memref_slice %arg3[%add3A_4] : memref<16384xi32, #tpu.memory_space<hbm>> -> memref<256xi32, #tpu.memory_space<hbm>>
      %dma_wait3A_20 = tpu.memref_slice %arg3[%add3A_4] : memref<16384xi32, #tpu.memory_space<hbm>> -> memref<256xi32, #tpu.memory_space<hbm>>
      tpu.wait_dma2 semaphore(%run_scoped3A : memref<!tpu.dma_semaphore, #tpu.memory_space<semaphore_mem>>) src(%dma_wait3A_20 : memref<256xi32, #tpu.memory_space<hbm>>) dst(%arg5 : memref<256xi32, #tpu.memory_space<vmem>>)
      tpu.yield
    }) : () -> ()
    %dma_start3A = arith.constant 0 : i32
    %dma_start3A_5 = arith.constant 0 : i32
    %dma_start3A_6 = tpu.memref_slice %arg2[%dma_start3A, %dma_start3A_5] : memref<1024x128xf32, #tpu.memory_space<hbm>> -> memref<1024x128xf32, #tpu.memory_space<hbm>>
    tpu.enqueue_indirect_dma source(%dma_start3A_6 : memref<1024x128xf32, #tpu.memory_space<hbm>>) target(%arg6 : memref<256x128xf32, #tpu.memory_space<vmem>>) offsets(%arg5 : memref<256xi32, #tpu.memory_space<vmem>>) semaphore(%arg7 : memref<!tpu.dma_semaphore, #tpu.memory_space<semaphore_mem>>)
    %dma_wait3A = arith.constant 0 : i32
    %dma_wait3A_7 = arith.constant 0 : i32
    %dma_wait3A_8 = tpu.memref_slice %arg2[%dma_wait3A, %dma_wait3A_7] : memref<1024x128xf32, #tpu.memory_space<hbm>> -> memref<1024x128xf32, #tpu.memory_space<hbm>>
    tpu.wait_indirect_dma semaphore(%arg7 : memref<!tpu.dma_semaphore, #tpu.memory_space<semaphore_mem>>) src(%dma_wait3A_8 : memref<1024x128xf32, #tpu.memory_space<hbm>>) dst(%arg6 : memref<256x128xf32, #tpu.memory_space<vmem>>)
    "tpu.region"() ({
      %run_scoped3A = tpu.sem_alloc : memref<!tpu.dma_semaphore, #tpu.memory_space<semaphore_mem>>
      %dma_start3A_17 = arith.constant 0 : i32
      %dma_start3A_18 = tpu.memref_slice %arg4[%add3A_4, %dma_start3A_17] : memref<16384x128xf32, #tpu.memory_space<hbm>> -> memref<256x128xf32, #tpu.memory_space<hbm>>
      %dma_start3A_19 = arith.constant 0 : i32
      %dma_start3A_20 = tpu.memref_slice %arg4[%add3A_4, %dma_start3A_19] : memref<16384x128xf32, #tpu.memory_space<hbm>> -> memref<256x128xf32, #tpu.memory_space<hbm>>
      tpu.enqueue_dma source(%arg6 : memref<256x128xf32, #tpu.memory_space<vmem>>) target(%dma_start3A_20 : memref<256x128xf32, #tpu.memory_space<hbm>>) target_semaphore(%run_scoped3A : memref<!tpu.dma_semaphore, #tpu.memory_space<semaphore_mem>>)
      %dma_wait3A_21 = arith.constant 0 : i32
      %dma_wait3A_22 = tpu.memref_slice %arg4[%add3A_4, %dma_wait3A_21] : memref<16384x128xf32, #tpu.memory_space<hbm>> -> memref<256x128xf32, #tpu.memory_space<hbm>>
      %dma_wait3A_23 = arith.constant 0 : i32
      %dma_wait3A_24 = tpu.memref_slice %arg4[%add3A_4, %dma_wait3A_23] : memref<16384x128xf32, #tpu.memory_space<hbm>> -> memref<256x128xf32, #tpu.memory_space<hbm>>
      tpu.wait_dma2 semaphore(%run_scoped3A : memref<!tpu.dma_semaphore, #tpu.memory_space<semaphore_mem>>) src(%arg6 : memref<256x128xf32, #tpu.memory_space<vmem>>) dst(%dma_wait3A_24 : memref<256x128xf32, #tpu.memory_space<hbm>>)
      tpu.yield
    }) : () -> ()
    %add3A_9 = arith.constant 256 : i32
    %add3A_10 = arith.addi %mul3A_2, %add3A_9 : i32
    "tpu.region"() ({
      %run_scoped3A = tpu.sem_alloc : memref<!tpu.dma_semaphore, #tpu.memory_space<semaphore_mem>>
      %dma_start3A_17 = tpu.memref_slice %arg3[%add3A_10] : memref<16384xi32, #tpu.memory_space<hbm>> -> memref<256xi32, #tpu.memory_space<hbm>>
      %dma_start3A_18 = tpu.memref_slice %arg3[%add3A_10] : memref<16384xi32, #tpu.memory_space<hbm>> -> memref<256xi32, #tpu.memory_space<hbm>>
      tpu.enqueue_dma source(%dma_start3A_18 : memref<256xi32, #tpu.memory_space<hbm>>) target(%arg5 : memref<256xi32, #tpu.memory_space<vmem>>) target_semaphore(%run_scoped3A : memref<!tpu.dma_semaphore, #tpu.memory_space<semaphore_mem>>)
      %dma_wait3A_19 = tpu.memref_slice %arg3[%add3A_10] : memref<16384xi32, #tpu.memory_space<hbm>> -> memref<256xi32, #tpu.memory_space<hbm>>
      %dma_wait3A_20 = tpu.memref_slice %arg3[%add3A_10] : memref<16384xi32, #tpu.memory_space<hbm>> -> memref<256xi32, #tpu.memory_space<hbm>>
      tpu.wait_dma2 semaphore(%run_scoped3A : memref<!tpu.dma_semaphore, #tpu.memory_space<semaphore_mem>>) src(%dma_wait3A_20 : memref<256xi32, #tpu.memory_space<hbm>>) dst(%arg5 : memref<256xi32, #tpu.memory_space<vmem>>)
      tpu.yield
    }) : () -> ()
    %dma_start3A_11 = arith.constant 0 : i32
    %dma_start3A_12 = arith.constant 0 : i32
    %dma_start3A_13 = tpu.memref_slice %arg2[%dma_start3A_11, %dma_start3A_12] : memref<1024x128xf32, #tpu.memory_space<hbm>> -> memref<1024x128xf32, #tpu.memory_space<hbm>>
    tpu.enqueue_indirect_dma source(%dma_start3A_13 : memref<1024x128xf32, #tpu.memory_space<hbm>>) target(%arg6 : memref<256x128xf32, #tpu.memory_space<vmem>>) offsets(%arg5 : memref<256xi32, #tpu.memory_space<vmem>>) semaphore(%arg7 : memref<!tpu.dma_semaphore, #tpu.memory_space<semaphore_mem>>)
    %dma_wait3A_14 = arith.constant 0 : i32
    %dma_wait3A_15 = arith.constant 0 : i32
    %dma_wait3A_16 = tpu.memref_slice %arg2[%dma_wait3A_14, %dma_wait3A_15] : memref<1024x128xf32, #tpu.memory_space<hbm>> -> memref<1024x128xf32, #tpu.memory_space<hbm>>
    tpu.wait_indirect_dma semaphore(%arg7 : memref<!tpu.dma_semaphore, #tpu.memory_space<semaphore_mem>>) src(%dma_wait3A_16 : memref<1024x128xf32, #tpu.memory_space<hbm>>) dst(%arg6 : memref<256x128xf32, #tpu.memory_space<vmem>>)
    "tpu.region"() ({
      %run_scoped3A = tpu.sem_alloc : memref<!tpu.dma_semaphore, #tpu.memory_space<semaphore_mem>>
      %dma_start3A_17 = arith.constant 0 : i32
      %dma_start3A_18 = tpu.memref_slice %arg4[%add3A_10, %dma_start3A_17] : memref<16384x128xf32, #tpu.memory_space<hbm>> -> memref<256x128xf32, #tpu.memory_space<hbm>>
      %dma_start3A_19 = arith.constant 0 : i32
      %dma_start3A_20 = tpu.memref_slice %arg4[%add3A_10, %dma_start3A_19] : memref<16384x128xf32, #tpu.memory_space<hbm>> -> memref<256x128xf32, #tpu.memory_space<hbm>>
      tpu.enqueue_dma source(%arg6 : memref<256x128xf32, #tpu.memory_space<vmem>>) target(%dma_start3A_20 : memref<256x128xf32, #tpu.memory_space<hbm>>) target_semaphore(%run_scoped3A : memref<!tpu.dma_semaphore, #tpu.memory_space<semaphore_mem>>)
      %dma_wait3A_21 = arith.constant 0 : i32
      %dma_wait3A_22 = tpu.memref_slice %arg4[%add3A_10, %dma_wait3A_21] : memref<16384x128xf32, #tpu.memory_space<hbm>> -> memref<256x128xf32, #tpu.memory_space<hbm>>
      %dma_wait3A_23 = arith.constant 0 : i32
      %dma_wait3A_24 = tpu.memref_slice %arg4[%add3A_10, %dma_wait3A_23] : memref<16384x128xf32, #tpu.memory_space<hbm>> -> memref<256x128xf32, #tpu.memory_space<hbm>>
      tpu.wait_dma2 semaphore(%run_scoped3A : memref<!tpu.dma_semaphore, #tpu.memory_space<semaphore_mem>>) src(%arg6 : memref<256x128xf32, #tpu.memory_space<vmem>>) dst(%dma_wait3A_24 : memref<256x128xf32, #tpu.memory_space<hbm>>)
      tpu.yield
    }) : () -> ()
    return
  }
}

module attributes {stable_mosaic.version = 14 : i64} {
  func.func @_select_kernel(%arg0: i32, %arg1: i32, %arg2: memref<1x1x1x2048xf32, #tpu.memory_space<vmem>>, %arg3: memref<1x1x1x2048xi32, #tpu.memory_space<vmem>>, %arg4: memref<1x128x2048xf32, #tpu.memory_space<vmem>>, %arg5: memref<1024x128xf32, #tpu.memory_space<vmem>>, %arg6: memref<1024x128xf32, #tpu.memory_space<vmem>>, %arg7: memref<1x1x1x2048xi32, #tpu.memory_space<vmem>>) attributes {dimension_semantics = [#tpu.dimension_semantics<parallel>, #tpu.dimension_semantics<arbitrary>], iteration_bounds = array<i64: 8, 4>, scalar_prefetch = 0 : i64, scratch_operands = 0 : i64, tpu.core_type = #tpu.core_type<tc>, window_params = [{transform_indices = @transform_0, window_bounds = array<i64: 1, 1, 1, 2048>}, {transform_indices = @transform_1, window_bounds = array<i64: 1, 1, 1, 2048>}, {transform_indices = @transform_2, window_bounds = array<i64: 1, 128, 2048>}, {pipeline_mode = #tpu.pipeline_mode<synchronous>, transform_indices = @transform_3, window_bounds = array<i64: 1024, 128>}, {pipeline_mode = #tpu.pipeline_mode<synchronous>, transform_indices = @transform_4, window_bounds = array<i64: 1024, 128>}, {transform_indices = @transform_5, window_bounds = array<i64: 1, 1, 1, 2048>}]} {
    %get3A = arith.constant 0 : index
    %get3A_0 = arith.constant 0 : index
    %get3A_1 = arith.constant 0 : index
    %get3A_2 = vector.load %arg4[%get3A, %get3A_0, %get3A_1] : memref<1x128x2048xf32, #tpu.memory_space<vmem>>, vector<1x128x2048xf32>
    %get3A_3 = vector.shape_cast %get3A_2 : vector<1x128x2048xf32> to vector<128x2048xf32>
    %get3A_4 = arith.constant 0 : index
    %get3A_5 = arith.constant 0 : index
    %get3A_6 = vector.load %arg5[%get3A_4, %get3A_5] : memref<1024x128xf32, #tpu.memory_space<vmem>>, vector<1024x128xf32>
    %dot_general3A = arith.constant dense<0.000000e+00> : vector<1024x2048xf32>
    %dot_general3A_7 = tpu.matmul %get3A_6, %get3A_3, %dot_general3A {dimension_numbers = #tpu.dot_dimension_numbers<[1], [0], [0], [1], [0, 0, 1, 1], [], []>, transpose_lhs_hint = false} : vector<1024x128xf32>, vector<128x2048xf32>, vector<1024x2048xf32> -> vector<1024x2048xf32>
    %get3A_8 = arith.constant 0 : index
    %get3A_9 = arith.constant 0 : index
    %get3A_10 = arith.constant 0 : index
    %get3A_11 = arith.constant 0 : index
    %get3A_12 = vector.load %arg2[%get3A_8, %get3A_9, %get3A_10, %get3A_11] : memref<1x1x1x2048xf32, #tpu.memory_space<vmem>>, vector<1x1x1x2048xf32>
    %get3A_13 = vector.shape_cast %get3A_12 : vector<1x1x1x2048xf32> to vector<1x2048xf32>
    %get3A_14 = arith.constant 0 : index
    %get3A_15 = arith.constant 0 : index
    %get3A_16 = vector.load %arg6[%get3A_14, %get3A_15] : memref<1024x128xf32, #tpu.memory_space<vmem>>, vector<1024x1xf32>
    %add3A = vector.broadcast %get3A_13 : vector<1x2048xf32> to vector<1024x2048xf32>
    %add3A_17 = vector.broadcast %get3A_16 : vector<1024x1xf32> to vector<1024x2048xf32>
    %add3A_18 = arith.addf %add3A, %add3A_17 : vector<1024x2048xf32>
    %mul3A = arith.constant 2.000000e+00 : f32
    %mul3A_19 = vector.broadcast %mul3A : f32 to vector<1024x2048xf32>
    %mul3A_20 = arith.mulf %mul3A_19, %dot_general3A_7 : vector<1024x2048xf32>
    %sub3A = arith.subf %add3A_18, %mul3A_20 : vector<1024x2048xf32>
    %bitcast_convert_type3A = tpu.bitcast %sub3A : vector<1024x2048xf32> -> vector<1024x2048xi32>
    %shift_right_arithmetic3A = arith.constant 31 : i32
    %shift_right_arithmetic3A_21 = vector.broadcast %shift_right_arithmetic3A : i32 to vector<1024x2048xi32>
    %shift_right_arithmetic3A_22 = arith.shrsi %bitcast_convert_type3A, %shift_right_arithmetic3A_21 : vector<1024x2048xi32>
    %and3A = arith.constant 2147483647 : i32
    %and3A_23 = vector.broadcast %and3A : i32 to vector<1024x2048xi32>
    %and3A_24 = arith.andi %shift_right_arithmetic3A_22, %and3A_23 : vector<1024x2048xi32>
    %xor3A = arith.xori %bitcast_convert_type3A, %and3A_24 : vector<1024x2048xi32>
    %get3A_25 = arith.constant 0 : index
    %get3A_26 = arith.constant 0 : index
    %get3A_27 = arith.constant 0 : index
    %get3A_28 = arith.constant 0 : index
    %get3A_29 = vector.load %arg3[%get3A_25, %get3A_26, %get3A_27, %get3A_28] : memref<1x1x1x2048xi32, #tpu.memory_space<vmem>>, vector<1x1x1x2048xi32>
    %get3A_30 = vector.shape_cast %get3A_29 : vector<1x1x1x2048xi32> to vector<1x2048xi32>
    %convert_element_type3A = arith.sitofp %get3A_30 : vector<1x2048xi32> to vector<1x2048xf32>
    %iota3A = tpu.iota {dimensions = array<i32: 0>} : vector<1024x2048xi32>
    %reduce_min3A = vector.shape_cast %xor3A : vector<1024x2048xi32> to vector<1x1024x2048xi32>
    %reduce_min3A_31 = arith.constant dense<2147483647> : vector<1xi32>
    %reduce_min3A_32 = vector.multi_reduction <minsi>, %reduce_min3A, %reduce_min3A_31 [1, 2] : vector<1x1024x2048xi32> to vector<1xi32>
    %reduce_min3A_33 = vector.shape_cast %reduce_min3A_32 : vector<1xi32> to vector<1x1x1xi32>
    %reduce_min3A_34 = vector.extract %reduce_min3A_33[0, 0, 0] : i32 from vector<1x1x1xi32>
    %reduce_max3A = vector.shape_cast %xor3A : vector<1024x2048xi32> to vector<1x1024x2048xi32>
    %reduce_max3A_35 = arith.constant dense<-2147483648> : vector<1xi32>
    %reduce_max3A_36 = vector.multi_reduction <maxsi>, %reduce_max3A, %reduce_max3A_35 [1, 2] : vector<1x1024x2048xi32> to vector<1xi32>
    %reduce_max3A_37 = vector.shape_cast %reduce_max3A_36 : vector<1xi32> to vector<1x1x1xi32>
    %reduce_max3A_38 = vector.extract %reduce_max3A_37[0, 0, 0] : i32 from vector<1x1x1xi32>
    %xor3A_39 = arith.xori %reduce_min3A_34, %reduce_max3A_38 : i32
    %convert_element_type3A_40 = arith.sitofp %xor3A_39 : i32 to f32
    %bitcast_convert_type3A_41 = arith.bitcast %convert_element_type3A_40 : f32 to i32
    %eq3A = arith.constant 0 : i32
    %eq3A_42 = arith.cmpi eq, %xor3A_39, %eq3A : i32
    %shift_right_arithmetic3A_43 = arith.constant 23 : i32
    %shift_right_arithmetic3A_44 = arith.shrsi %bitcast_convert_type3A_41, %shift_right_arithmetic3A_43 : i32
    %sub3A_45 = arith.constant 127 : i32
    %sub3A_46 = arith.subi %shift_right_arithmetic3A_44, %sub3A_45 : i32
    %jit3A = arith.constant 0 : i32
    %select_n3A = arith.select %eq3A_42, %jit3A, %sub3A_46 : i32
    %lt3A = arith.constant 0 : i32
    %lt3A_47 = arith.cmpi slt, %xor3A_39, %lt3A : i32
    %jit3A_48 = arith.constant 31 : i32
    %select_n3A_49 = arith.select %lt3A_47, %jit3A_48, %select_n3A : i32
    %ge3A = arith.constant 31 : i32
    %ge3A_50 = arith.cmpi sge, %select_n3A_49, %ge3A : i32
    %convert_element_type3A_51 = arith.extui %ge3A_50 : i1 to i32
    %cond3A = arith.constant 0 : i32
    %cond3A_52 = arith.cmpi ne, %convert_element_type3A_51, %cond3A : i32
    %cond3A_53:4 = scf.if %cond3A_52 -> (i32, vector<1x2048xi32>, vector<1x2048xf32>, vector<1x2048xf32>) {
      %lt3A_78 = arith.constant 0 : i32
      %lt3A_79 = vector.broadcast %lt3A_78 : i32 to vector<1024x2048xi32>
      %lt3A_80 = arith.cmpi slt, %xor3A, %lt3A_79 : vector<1024x2048xi32>
      %convert_element_type3A_81 = arith.extui %lt3A_80 : vector<1024x2048xi1> to vector<1024x2048xi32>
      %convert_element_type3A_82 = arith.sitofp %convert_element_type3A_81 : vector<1024x2048xi32> to vector<1024x2048xf32>
      %reduce_sum3A = arith.constant dense<0.000000e+00> : vector<2048xf32>
      %reduce_sum3A_83 = vector.multi_reduction <add>, %convert_element_type3A_82, %reduce_sum3A [0] : vector<1024x2048xf32> to vector<2048xf32>
      %broadcast_in_dim3A = vector.shape_cast %reduce_sum3A_83 : vector<2048xf32> to vector<1x2048xf32>
      %gt3A = arith.cmpf ogt, %broadcast_in_dim3A, %convert_element_type3A : vector<1x2048xf32>
      %jit3A_84 = arith.constant -2147483648 : i32
      %jit3A_85 = arith.constant 0 : i32
      %broadcast_in_dim3A_86 = vector.broadcast %jit3A_84 : i32 to vector<1x2048xi32>
      %broadcast_in_dim3A_87 = vector.broadcast %jit3A_85 : i32 to vector<1x2048xi32>
      %select_n3A_88 = arith.select %gt3A, %broadcast_in_dim3A_86, %broadcast_in_dim3A_87 : vector<1x2048xi1>, vector<1x2048xi32>
      %jit3A_89 = arith.constant 0.000000e+00 : f32
      %broadcast_in_dim3A_90 = vector.broadcast %jit3A_89 : f32 to vector<1x2048xf32>
      %select_n3A_91 = arith.select %gt3A, %broadcast_in_dim3A_90, %broadcast_in_dim3A : vector<1x2048xi1>, vector<1x2048xf32>
      %jit3A_92 = arith.constant 1.024000e+03 : f32
      %broadcast_in_dim3A_93 = vector.broadcast %jit3A_92 : f32 to vector<1x2048xf32>
      %select_n3A_94 = arith.select %gt3A, %broadcast_in_dim3A, %broadcast_in_dim3A_93 : vector<1x2048xi1>, vector<1x2048xf32>
      %cond3A_95 = arith.constant 30 : i32
      scf.yield %cond3A_95, %select_n3A_88, %select_n3A_91, %select_n3A_94 : i32, vector<1x2048xi32>, vector<1x2048xf32>, vector<1x2048xf32>
    } else {
      %add3A_78 = arith.constant 1 : i32
      %add3A_79 = arith.addi %select_n3A_49, %add3A_78 : i32
      %shift_left3A_80 = arith.constant 1 : i32
      %shift_left3A_81 = arith.shli %shift_left3A_80, %add3A_79 : i32
      %sub3A_82 = arith.constant 1 : i32
      %sub3A_83 = arith.subi %shift_left3A_81, %sub3A_82 : i32
      %not3A = arith.constant -1 : i32
      %not3A_84 = arith.xori %sub3A_83, %not3A : i32
      %and3A_85 = arith.andi %reduce_min3A_34, %not3A_84 : i32
      %min3A = arith.constant 30 : i32
      %min3A_86 = arith.minsi %select_n3A_49, %min3A : i32
      %broadcast_in_dim3A = vector.broadcast %and3A_85 : i32 to vector<1x1xi32>
      %broadcast_in_dim3A_87 = vector.shape_cast %broadcast_in_dim3A : vector<1x1xi32> to vector<1x1xi32>
      %broadcast_in_dim3A_88 = vector.broadcast %broadcast_in_dim3A_87 : vector<1x1xi32> to vector<1x2048xi32>
      %broadcast_in_dim3A_89 = arith.constant 0.000000e+00 : f32
      %broadcast_in_dim3A_90 = vector.broadcast %broadcast_in_dim3A_89 : f32 to vector<1x2048xf32>
      %broadcast_in_dim3A_91 = arith.constant 1.024000e+03 : f32
      %broadcast_in_dim3A_92 = vector.broadcast %broadcast_in_dim3A_91 : f32 to vector<1x2048xf32>
      scf.yield %min3A_86, %broadcast_in_dim3A_88, %broadcast_in_dim3A_90, %broadcast_in_dim3A_92 : i32, vector<1x2048xi32>, vector<1x2048xf32>, vector<1x2048xf32>
    }
    %while3A = arith.constant 1.024000e+03 : f32
    %while3A_54:5 = scf.while (%while3A_78 = %cond3A_53#0, %while3A_79 = %cond3A_53#1, %while3A_80 = %cond3A_53#2, %while3A_81 = %cond3A_53#3, %while3A_82 = %while3A) : (i32, vector<1x2048xi32>, vector<1x2048xf32>, vector<1x2048xf32>, f32) -> (i32, vector<1x2048xi32>, vector<1x2048xf32>, vector<1x2048xf32>, f32) {
      %ge3A_83 = arith.constant 0 : i32
      %ge3A_84 = arith.cmpi sge, %while3A_78, %ge3A_83 : i32
      %gt3A = arith.constant 1.500000e+00 : f32
      %gt3A_85 = arith.cmpf ogt, %while3A_82, %gt3A : f32
      %and3A_86 = arith.andi %ge3A_84, %gt3A_85 : i1
      scf.condition(%and3A_86) %while3A_78, %while3A_79, %while3A_80, %while3A_81, %while3A_82 : i32, vector<1x2048xi32>, vector<1x2048xf32>, vector<1x2048xf32>, f32
    } do {
    ^bb0(%while3A_78: i32, %while3A_79: vector<1x2048xi32>, %while3A_80: vector<1x2048xf32>, %while3A_81: vector<1x2048xf32>, %while3A_82: f32):
      %shift_left3A_83 = arith.constant 1 : i32
      %shift_left3A_84 = arith.shli %shift_left3A_83, %while3A_78 : i32
      %add3A_85 = vector.broadcast %shift_left3A_84 : i32 to vector<1x2048xi32>
      %add3A_86 = arith.addi %while3A_79, %add3A_85 : vector<1x2048xi32>
      %lt3A_87 = vector.broadcast %add3A_86 : vector<1x2048xi32> to vector<1024x2048xi32>
      %lt3A_88 = arith.cmpi slt, %xor3A, %lt3A_87 : vector<1024x2048xi32>
      %convert_element_type3A_89 = arith.extui %lt3A_88 : vector<1024x2048xi1> to vector<1024x2048xi32>
      %convert_element_type3A_90 = arith.sitofp %convert_element_type3A_89 : vector<1024x2048xi32> to vector<1024x2048xf32>
      %reduce_sum3A = arith.constant dense<0.000000e+00> : vector<2048xf32>
      %reduce_sum3A_91 = vector.multi_reduction <add>, %convert_element_type3A_90, %reduce_sum3A [0] : vector<1024x2048xf32> to vector<2048xf32>
      %broadcast_in_dim3A = vector.shape_cast %reduce_sum3A_91 : vector<2048xf32> to vector<1x2048xf32>
      %le3A_92 = arith.cmpf ole, %broadcast_in_dim3A, %convert_element_type3A : vector<1x2048xf32>
      %select_n3A_93 = arith.select %le3A_92, %add3A_86, %while3A_79 : vector<1x2048xi1>, vector<1x2048xi32>
      %select_n3A_94 = arith.select %le3A_92, %broadcast_in_dim3A, %while3A_80 : vector<1x2048xi1>, vector<1x2048xf32>
      %select_n3A_95 = arith.select %le3A_92, %while3A_81, %broadcast_in_dim3A : vector<1x2048xi1>, vector<1x2048xf32>
      %sub3A_96 = arith.constant 1 : i32
      %sub3A_97 = arith.subi %while3A_78, %sub3A_96 : i32
      %sub3A_98 = arith.subf %select_n3A_95, %select_n3A_94 : vector<1x2048xf32>
      %reduce_max3A_99 = vector.shape_cast %sub3A_98 : vector<1x2048xf32> to vector<1x1x2048xf32>
      %reduce_max3A_100 = arith.constant dense<0xFF800000> : vector<1xf32>
      %reduce_max3A_101 = vector.multi_reduction <maximumf>, %reduce_max3A_99, %reduce_max3A_100 [1, 2] : vector<1x1x2048xf32> to vector<1xf32>
      %reduce_max3A_102 = vector.shape_cast %reduce_max3A_101 : vector<1xf32> to vector<1x1x1xf32>
      %reduce_max3A_103 = vector.extract %reduce_max3A_102[0, 0, 0] : f32 from vector<1x1x1xf32>
      scf.yield %sub3A_97, %select_n3A_93, %select_n3A_94, %select_n3A_95, %reduce_max3A_103 : i32, vector<1x2048xi32>, vector<1x2048xf32>, vector<1x2048xf32>, f32
    }
    %add3A_55 = arith.constant 1 : i32
    %add3A_56 = arith.addi %while3A_54#0, %add3A_55 : i32
    %shift_left3A = arith.constant 1 : i32
    %shift_left3A_57 = arith.shli %shift_left3A, %add3A_56 : i32
    %sub3A_58 = arith.constant 1 : i32
    %sub3A_59 = arith.subi %shift_left3A_57, %sub3A_58 : i32
    %add3A_60 = vector.broadcast %sub3A_59 : i32 to vector<1x2048xi32>
    %add3A_61 = arith.addi %while3A_54#1, %add3A_60 : vector<1x2048xi32>
    %ge3A_62 = vector.broadcast %while3A_54#1 : vector<1x2048xi32> to vector<1024x2048xi32>
    %ge3A_63 = arith.cmpi sge, %xor3A, %ge3A_62 : vector<1024x2048xi32>
    %le3A = vector.broadcast %add3A_61 : vector<1x2048xi32> to vector<1024x2048xi32>
    %le3A_64 = arith.cmpi sle, %xor3A, %le3A : vector<1024x2048xi32>
    %and3A_65 = arith.andi %ge3A_63, %le3A_64 : vector<1024x2048xi1>
    %le3A_66 = arith.constant 1.500000e+00 : f32
    %le3A_67 = arith.cmpf ole, %while3A_54#4, %le3A_66 : f32
    %convert_element_type3A_68 = arith.extui %le3A_67 : i1 to i32
    %cond3A_69 = arith.constant 0 : i32
    %cond3A_70 = arith.cmpi ne, %convert_element_type3A_68, %cond3A_69 : i32
    %cond3A_71 = scf.if %cond3A_70 -> (vector<1x2048xi32>) {
      %jit3A_78 = arith.constant 0 : i32
      %broadcast_in_dim3A = vector.broadcast %jit3A_78 : i32 to vector<1024x2048xi32>
      %select_n3A_79 = arith.select %and3A_65, %iota3A, %broadcast_in_dim3A : vector<1024x2048xi1>, vector<1024x2048xi32>
      %reduce_sum3A = arith.constant dense<0> : vector<2048xi32>
      %reduce_sum3A_80 = vector.multi_reduction <add>, %select_n3A_79, %reduce_sum3A [0] : vector<1024x2048xi32> to vector<2048xi32>
      %broadcast_in_dim3A_81 = vector.shape_cast %reduce_sum3A_80 : vector<2048xi32> to vector<1x2048xi32>
      scf.yield %broadcast_in_dim3A_81 : vector<1x2048xi32>
    } else {
      %sub3A_78 = arith.subf %convert_element_type3A, %while3A_54#2 : vector<1x2048xf32>
      %reduce_max3A_79 = vector.shape_cast %sub3A_78 : vector<1x2048xf32> to vector<1x1x2048xf32>
      %reduce_max3A_80 = arith.constant dense<0xFF800000> : vector<1xf32>
      %reduce_max3A_81 = vector.multi_reduction <maximumf>, %reduce_max3A_79, %reduce_max3A_80 [1, 2] : vector<1x1x2048xf32> to vector<1xf32>
      %reduce_max3A_82 = vector.shape_cast %reduce_max3A_81 : vector<1xf32> to vector<1x1x1xf32>
      %reduce_max3A_83 = vector.extract %reduce_max3A_82[0, 0, 0] : f32 from vector<1x1x1xf32>
      %le3A_84 = arith.constant 5.000000e-01 : f32
      %le3A_85 = arith.cmpf ole, %reduce_max3A_83, %le3A_84 : f32
      %convert_element_type3A_86 = arith.extui %le3A_85 : i1 to i32
      %cond3A_87 = arith.constant 0 : i32
      %cond3A_88 = arith.cmpi ne, %convert_element_type3A_86, %cond3A_87 : i32
      %cond3A_89 = scf.if %cond3A_88 -> (vector<1x2048xi32>) {
        %jit3A_90 = arith.constant 1024 : i32
        %broadcast_in_dim3A = vector.broadcast %jit3A_90 : i32 to vector<1024x2048xi32>
        %select_n3A_91 = arith.select %and3A_65, %iota3A, %broadcast_in_dim3A : vector<1024x2048xi1>, vector<1024x2048xi32>
        %reduce_min3A_92 = arith.constant dense<2147483647> : vector<2048xi32>
        %reduce_min3A_93 = vector.multi_reduction <minsi>, %select_n3A_91, %reduce_min3A_92 [0] : vector<1024x2048xi32> to vector<2048xi32>
        %broadcast_in_dim3A_94 = vector.shape_cast %reduce_min3A_93 : vector<2048xi32> to vector<1x2048xi32>
        scf.yield %broadcast_in_dim3A_94 : vector<1x2048xi32>
      } else {
        %broadcast_in_dim3A = arith.constant 0 : i32
        %broadcast_in_dim3A_90 = vector.broadcast %broadcast_in_dim3A : i32 to vector<1x2048xi32>
        %add3A_91 = arith.constant 512 : i32
        %add3A_92 = vector.broadcast %add3A_91 : i32 to vector<1x2048xi32>
        %add3A_93 = arith.addi %broadcast_in_dim3A_90, %add3A_92 : vector<1x2048xi32>
        %lt3A_94 = vector.broadcast %add3A_93 : vector<1x2048xi32> to vector<1024x2048xi32>
        %lt3A_95 = arith.cmpi slt, %iota3A, %lt3A_94 : vector<1024x2048xi32>
        %and3A_96 = arith.andi %and3A_65, %lt3A_95 : vector<1024x2048xi1>
        %jit3A_97 = arith.constant 1.000000e+00 : f32
        %jit3A_98 = arith.constant 0.000000e+00 : f32
        %broadcast_in_dim3A_99 = vector.broadcast %jit3A_97 : f32 to vector<1024x2048xf32>
        %broadcast_in_dim3A_100 = vector.broadcast %jit3A_98 : f32 to vector<1024x2048xf32>
        %select_n3A_101 = arith.select %and3A_96, %broadcast_in_dim3A_99, %broadcast_in_dim3A_100 : vector<1024x2048xi1>, vector<1024x2048xf32>
        %reduce_sum3A = arith.constant dense<0.000000e+00> : vector<2048xf32>
        %reduce_sum3A_102 = vector.multi_reduction <add>, %select_n3A_101, %reduce_sum3A [0] : vector<1024x2048xf32> to vector<2048xf32>
        %broadcast_in_dim3A_103 = vector.shape_cast %reduce_sum3A_102 : vector<2048xf32> to vector<1x2048xf32>
        %le3A_104 = arith.cmpf ole, %broadcast_in_dim3A_103, %sub3A_78 : vector<1x2048xf32>
        %select_n3A_105 = arith.select %le3A_104, %add3A_93, %broadcast_in_dim3A_90 : vector<1x2048xi1>, vector<1x2048xi32>
        %add3A_106 = arith.constant 256 : i32
        %add3A_107 = vector.broadcast %add3A_106 : i32 to vector<1x2048xi32>
        %add3A_108 = arith.addi %select_n3A_105, %add3A_107 : vector<1x2048xi32>
        %lt3A_109 = vector.broadcast %add3A_108 : vector<1x2048xi32> to vector<1024x2048xi32>
        %lt3A_110 = arith.cmpi slt, %iota3A, %lt3A_109 : vector<1024x2048xi32>
        %and3A_111 = arith.andi %and3A_65, %lt3A_110 : vector<1024x2048xi1>
        %jit3A_112 = arith.constant 1.000000e+00 : f32
        %jit3A_113 = arith.constant 0.000000e+00 : f32
        %broadcast_in_dim3A_114 = vector.broadcast %jit3A_112 : f32 to vector<1024x2048xf32>
        %broadcast_in_dim3A_115 = vector.broadcast %jit3A_113 : f32 to vector<1024x2048xf32>
        %select_n3A_116 = arith.select %and3A_111, %broadcast_in_dim3A_114, %broadcast_in_dim3A_115 : vector<1024x2048xi1>, vector<1024x2048xf32>
        %reduce_sum3A_117 = arith.constant dense<0.000000e+00> : vector<2048xf32>
        %reduce_sum3A_118 = vector.multi_reduction <add>, %select_n3A_116, %reduce_sum3A_117 [0] : vector<1024x2048xf32> to vector<2048xf32>
        %broadcast_in_dim3A_119 = vector.shape_cast %reduce_sum3A_118 : vector<2048xf32> to vector<1x2048xf32>
        %le3A_120 = arith.cmpf ole, %broadcast_in_dim3A_119, %sub3A_78 : vector<1x2048xf32>
        %select_n3A_121 = arith.select %le3A_120, %add3A_108, %select_n3A_105 : vector<1x2048xi1>, vector<1x2048xi32>
        %add3A_122 = arith.constant 128 : i32
        %add3A_123 = vector.broadcast %add3A_122 : i32 to vector<1x2048xi32>
        %add3A_124 = arith.addi %select_n3A_121, %add3A_123 : vector<1x2048xi32>
        %lt3A_125 = vector.broadcast %add3A_124 : vector<1x2048xi32> to vector<1024x2048xi32>
        %lt3A_126 = arith.cmpi slt, %iota3A, %lt3A_125 : vector<1024x2048xi32>
        %and3A_127 = arith.andi %and3A_65, %lt3A_126 : vector<1024x2048xi1>
        %jit3A_128 = arith.constant 1.000000e+00 : f32
        %jit3A_129 = arith.constant 0.000000e+00 : f32
        %broadcast_in_dim3A_130 = vector.broadcast %jit3A_128 : f32 to vector<1024x2048xf32>
        %broadcast_in_dim3A_131 = vector.broadcast %jit3A_129 : f32 to vector<1024x2048xf32>
        %select_n3A_132 = arith.select %and3A_127, %broadcast_in_dim3A_130, %broadcast_in_dim3A_131 : vector<1024x2048xi1>, vector<1024x2048xf32>
        %reduce_sum3A_133 = arith.constant dense<0.000000e+00> : vector<2048xf32>
        %reduce_sum3A_134 = vector.multi_reduction <add>, %select_n3A_132, %reduce_sum3A_133 [0] : vector<1024x2048xf32> to vector<2048xf32>
        %broadcast_in_dim3A_135 = vector.shape_cast %reduce_sum3A_134 : vector<2048xf32> to vector<1x2048xf32>
        %le3A_136 = arith.cmpf ole, %broadcast_in_dim3A_135, %sub3A_78 : vector<1x2048xf32>
        %select_n3A_137 = arith.select %le3A_136, %add3A_124, %select_n3A_121 : vector<1x2048xi1>, vector<1x2048xi32>
        %add3A_138 = arith.constant 64 : i32
        %add3A_139 = vector.broadcast %add3A_138 : i32 to vector<1x2048xi32>
        %add3A_140 = arith.addi %select_n3A_137, %add3A_139 : vector<1x2048xi32>
        %lt3A_141 = vector.broadcast %add3A_140 : vector<1x2048xi32> to vector<1024x2048xi32>
        %lt3A_142 = arith.cmpi slt, %iota3A, %lt3A_141 : vector<1024x2048xi32>
        %and3A_143 = arith.andi %and3A_65, %lt3A_142 : vector<1024x2048xi1>
        %jit3A_144 = arith.constant 1.000000e+00 : f32
        %jit3A_145 = arith.constant 0.000000e+00 : f32
        %broadcast_in_dim3A_146 = vector.broadcast %jit3A_144 : f32 to vector<1024x2048xf32>
        %broadcast_in_dim3A_147 = vector.broadcast %jit3A_145 : f32 to vector<1024x2048xf32>
        %select_n3A_148 = arith.select %and3A_143, %broadcast_in_dim3A_146, %broadcast_in_dim3A_147 : vector<1024x2048xi1>, vector<1024x2048xf32>
        %reduce_sum3A_149 = arith.constant dense<0.000000e+00> : vector<2048xf32>
        %reduce_sum3A_150 = vector.multi_reduction <add>, %select_n3A_148, %reduce_sum3A_149 [0] : vector<1024x2048xf32> to vector<2048xf32>
        %broadcast_in_dim3A_151 = vector.shape_cast %reduce_sum3A_150 : vector<2048xf32> to vector<1x2048xf32>
        %le3A_152 = arith.cmpf ole, %broadcast_in_dim3A_151, %sub3A_78 : vector<1x2048xf32>
        %select_n3A_153 = arith.select %le3A_152, %add3A_140, %select_n3A_137 : vector<1x2048xi1>, vector<1x2048xi32>
        %add3A_154 = arith.constant 32 : i32
        %add3A_155 = vector.broadcast %add3A_154 : i32 to vector<1x2048xi32>
        %add3A_156 = arith.addi %select_n3A_153, %add3A_155 : vector<1x2048xi32>
        %lt3A_157 = vector.broadcast %add3A_156 : vector<1x2048xi32> to vector<1024x2048xi32>
        %lt3A_158 = arith.cmpi slt, %iota3A, %lt3A_157 : vector<1024x2048xi32>
        %and3A_159 = arith.andi %and3A_65, %lt3A_158 : vector<1024x2048xi1>
        %jit3A_160 = arith.constant 1.000000e+00 : f32
        %jit3A_161 = arith.constant 0.000000e+00 : f32
        %broadcast_in_dim3A_162 = vector.broadcast %jit3A_160 : f32 to vector<1024x2048xf32>
        %broadcast_in_dim3A_163 = vector.broadcast %jit3A_161 : f32 to vector<1024x2048xf32>
        %select_n3A_164 = arith.select %and3A_159, %broadcast_in_dim3A_162, %broadcast_in_dim3A_163 : vector<1024x2048xi1>, vector<1024x2048xf32>
        %reduce_sum3A_165 = arith.constant dense<0.000000e+00> : vector<2048xf32>
        %reduce_sum3A_166 = vector.multi_reduction <add>, %select_n3A_164, %reduce_sum3A_165 [0] : vector<1024x2048xf32> to vector<2048xf32>
        %broadcast_in_dim3A_167 = vector.shape_cast %reduce_sum3A_166 : vector<2048xf32> to vector<1x2048xf32>
        %le3A_168 = arith.cmpf ole, %broadcast_in_dim3A_167, %sub3A_78 : vector<1x2048xf32>
        %select_n3A_169 = arith.select %le3A_168, %add3A_156, %select_n3A_153 : vector<1x2048xi1>, vector<1x2048xi32>
        %add3A_170 = arith.constant 16 : i32
        %add3A_171 = vector.broadcast %add3A_170 : i32 to vector<1x2048xi32>
        %add3A_172 = arith.addi %select_n3A_169, %add3A_171 : vector<1x2048xi32>
        %lt3A_173 = vector.broadcast %add3A_172 : vector<1x2048xi32> to vector<1024x2048xi32>
        %lt3A_174 = arith.cmpi slt, %iota3A, %lt3A_173 : vector<1024x2048xi32>
        %and3A_175 = arith.andi %and3A_65, %lt3A_174 : vector<1024x2048xi1>
        %jit3A_176 = arith.constant 1.000000e+00 : f32
        %jit3A_177 = arith.constant 0.000000e+00 : f32
        %broadcast_in_dim3A_178 = vector.broadcast %jit3A_176 : f32 to vector<1024x2048xf32>
        %broadcast_in_dim3A_179 = vector.broadcast %jit3A_177 : f32 to vector<1024x2048xf32>
        %select_n3A_180 = arith.select %and3A_175, %broadcast_in_dim3A_178, %broadcast_in_dim3A_179 : vector<1024x2048xi1>, vector<1024x2048xf32>
        %reduce_sum3A_181 = arith.constant dense<0.000000e+00> : vector<2048xf32>
        %reduce_sum3A_182 = vector.multi_reduction <add>, %select_n3A_180, %reduce_sum3A_181 [0] : vector<1024x2048xf32> to vector<2048xf32>
        %broadcast_in_dim3A_183 = vector.shape_cast %reduce_sum3A_182 : vector<2048xf32> to vector<1x2048xf32>
        %le3A_184 = arith.cmpf ole, %broadcast_in_dim3A_183, %sub3A_78 : vector<1x2048xf32>
        %select_n3A_185 = arith.select %le3A_184, %add3A_172, %select_n3A_169 : vector<1x2048xi1>, vector<1x2048xi32>
        %add3A_186 = arith.constant 8 : i32
        %add3A_187 = vector.broadcast %add3A_186 : i32 to vector<1x2048xi32>
        %add3A_188 = arith.addi %select_n3A_185, %add3A_187 : vector<1x2048xi32>
        %lt3A_189 = vector.broadcast %add3A_188 : vector<1x2048xi32> to vector<1024x2048xi32>
        %lt3A_190 = arith.cmpi slt, %iota3A, %lt3A_189 : vector<1024x2048xi32>
        %and3A_191 = arith.andi %and3A_65, %lt3A_190 : vector<1024x2048xi1>
        %jit3A_192 = arith.constant 1.000000e+00 : f32
        %jit3A_193 = arith.constant 0.000000e+00 : f32
        %broadcast_in_dim3A_194 = vector.broadcast %jit3A_192 : f32 to vector<1024x2048xf32>
        %broadcast_in_dim3A_195 = vector.broadcast %jit3A_193 : f32 to vector<1024x2048xf32>
        %select_n3A_196 = arith.select %and3A_191, %broadcast_in_dim3A_194, %broadcast_in_dim3A_195 : vector<1024x2048xi1>, vector<1024x2048xf32>
        %reduce_sum3A_197 = arith.constant dense<0.000000e+00> : vector<2048xf32>
        %reduce_sum3A_198 = vector.multi_reduction <add>, %select_n3A_196, %reduce_sum3A_197 [0] : vector<1024x2048xf32> to vector<2048xf32>
        %broadcast_in_dim3A_199 = vector.shape_cast %reduce_sum3A_198 : vector<2048xf32> to vector<1x2048xf32>
        %le3A_200 = arith.cmpf ole, %broadcast_in_dim3A_199, %sub3A_78 : vector<1x2048xf32>
        %select_n3A_201 = arith.select %le3A_200, %add3A_188, %select_n3A_185 : vector<1x2048xi1>, vector<1x2048xi32>
        %add3A_202 = arith.constant 4 : i32
        %add3A_203 = vector.broadcast %add3A_202 : i32 to vector<1x2048xi32>
        %add3A_204 = arith.addi %select_n3A_201, %add3A_203 : vector<1x2048xi32>
        %lt3A_205 = vector.broadcast %add3A_204 : vector<1x2048xi32> to vector<1024x2048xi32>
        %lt3A_206 = arith.cmpi slt, %iota3A, %lt3A_205 : vector<1024x2048xi32>
        %and3A_207 = arith.andi %and3A_65, %lt3A_206 : vector<1024x2048xi1>
        %jit3A_208 = arith.constant 1.000000e+00 : f32
        %jit3A_209 = arith.constant 0.000000e+00 : f32
        %broadcast_in_dim3A_210 = vector.broadcast %jit3A_208 : f32 to vector<1024x2048xf32>
        %broadcast_in_dim3A_211 = vector.broadcast %jit3A_209 : f32 to vector<1024x2048xf32>
        %select_n3A_212 = arith.select %and3A_207, %broadcast_in_dim3A_210, %broadcast_in_dim3A_211 : vector<1024x2048xi1>, vector<1024x2048xf32>
        %reduce_sum3A_213 = arith.constant dense<0.000000e+00> : vector<2048xf32>
        %reduce_sum3A_214 = vector.multi_reduction <add>, %select_n3A_212, %reduce_sum3A_213 [0] : vector<1024x2048xf32> to vector<2048xf32>
        %broadcast_in_dim3A_215 = vector.shape_cast %reduce_sum3A_214 : vector<2048xf32> to vector<1x2048xf32>
        %le3A_216 = arith.cmpf ole, %broadcast_in_dim3A_215, %sub3A_78 : vector<1x2048xf32>
        %select_n3A_217 = arith.select %le3A_216, %add3A_204, %select_n3A_201 : vector<1x2048xi1>, vector<1x2048xi32>
        %add3A_218 = arith.constant 2 : i32
        %add3A_219 = vector.broadcast %add3A_218 : i32 to vector<1x2048xi32>
        %add3A_220 = arith.addi %select_n3A_217, %add3A_219 : vector<1x2048xi32>
        %lt3A_221 = vector.broadcast %add3A_220 : vector<1x2048xi32> to vector<1024x2048xi32>
        %lt3A_222 = arith.cmpi slt, %iota3A, %lt3A_221 : vector<1024x2048xi32>
        %and3A_223 = arith.andi %and3A_65, %lt3A_222 : vector<1024x2048xi1>
        %jit3A_224 = arith.constant 1.000000e+00 : f32
        %jit3A_225 = arith.constant 0.000000e+00 : f32
        %broadcast_in_dim3A_226 = vector.broadcast %jit3A_224 : f32 to vector<1024x2048xf32>
        %broadcast_in_dim3A_227 = vector.broadcast %jit3A_225 : f32 to vector<1024x2048xf32>
        %select_n3A_228 = arith.select %and3A_223, %broadcast_in_dim3A_226, %broadcast_in_dim3A_227 : vector<1024x2048xi1>, vector<1024x2048xf32>
        %reduce_sum3A_229 = arith.constant dense<0.000000e+00> : vector<2048xf32>
        %reduce_sum3A_230 = vector.multi_reduction <add>, %select_n3A_228, %reduce_sum3A_229 [0] : vector<1024x2048xf32> to vector<2048xf32>
        %broadcast_in_dim3A_231 = vector.shape_cast %reduce_sum3A_230 : vector<2048xf32> to vector<1x2048xf32>
        %le3A_232 = arith.cmpf ole, %broadcast_in_dim3A_231, %sub3A_78 : vector<1x2048xf32>
        %select_n3A_233 = arith.select %le3A_232, %add3A_220, %select_n3A_217 : vector<1x2048xi1>, vector<1x2048xi32>
        %add3A_234 = arith.constant 1 : i32
        %add3A_235 = vector.broadcast %add3A_234 : i32 to vector<1x2048xi32>
        %add3A_236 = arith.addi %select_n3A_233, %add3A_235 : vector<1x2048xi32>
        %lt3A_237 = vector.broadcast %add3A_236 : vector<1x2048xi32> to vector<1024x2048xi32>
        %lt3A_238 = arith.cmpi slt, %iota3A, %lt3A_237 : vector<1024x2048xi32>
        %and3A_239 = arith.andi %and3A_65, %lt3A_238 : vector<1024x2048xi1>
        %jit3A_240 = arith.constant 1.000000e+00 : f32
        %jit3A_241 = arith.constant 0.000000e+00 : f32
        %broadcast_in_dim3A_242 = vector.broadcast %jit3A_240 : f32 to vector<1024x2048xf32>
        %broadcast_in_dim3A_243 = vector.broadcast %jit3A_241 : f32 to vector<1024x2048xf32>
        %select_n3A_244 = arith.select %and3A_239, %broadcast_in_dim3A_242, %broadcast_in_dim3A_243 : vector<1024x2048xi1>, vector<1024x2048xf32>
        %reduce_sum3A_245 = arith.constant dense<0.000000e+00> : vector<2048xf32>
        %reduce_sum3A_246 = vector.multi_reduction <add>, %select_n3A_244, %reduce_sum3A_245 [0] : vector<1024x2048xf32> to vector<2048xf32>
        %broadcast_in_dim3A_247 = vector.shape_cast %reduce_sum3A_246 : vector<2048xf32> to vector<1x2048xf32>
        %le3A_248 = arith.cmpf ole, %broadcast_in_dim3A_247, %sub3A_78 : vector<1x2048xf32>
        %select_n3A_249 = arith.select %le3A_248, %add3A_236, %select_n3A_233 : vector<1x2048xi1>, vector<1x2048xi32>
        scf.yield %select_n3A_249 : vector<1x2048xi32>
      }
      scf.yield %cond3A_89 : vector<1x2048xi32>
    }
    %swap3A = arith.constant 0 : index
    %swap3A_72 = arith.constant 0 : index
    %swap3A_73 = arith.constant 0 : index
    %swap3A_74 = arith.constant 0 : index
    %swap3A_75 = vector.load %arg7[%swap3A, %swap3A_72, %swap3A_73, %swap3A_74] : memref<1x1x1x2048xi32, #tpu.memory_space<vmem>>, vector<1x1x1x2048xi32>
    %swap3A_76 = vector.shape_cast %swap3A_75 : vector<1x1x1x2048xi32> to vector<1x2048xi32>
    %swap3A_77 = vector.shape_cast %cond3A_71 : vector<1x2048xi32> to vector<1x1x1x2048xi32>
    tpu.vector_store %arg7[%swap3A, %swap3A_72, %swap3A_73, %swap3A_74], %swap3A_77 {strides = array<i32>} : memref<1x1x1x2048xi32, #tpu.memory_space<vmem>>, vector<1x1x1x2048xi32>,
    return
  }
  func.func @transform_0(%arg0: i32, %arg1: i32) -> (i32, i32, i32, i32) {
    %c0_i32 = arith.constant 0 : i32
    %c0_i32_0 = arith.constant 0 : i32
    %c0_i32_1 = arith.constant 0 : i32
    return %arg0, %arg1, %c0_i32, %c0_i32_0 : i32, i32, i32, i32
  }
  func.func @transform_1(%arg0: i32, %arg1: i32) -> (i32, i32, i32, i32) {
    %c0_i32 = arith.constant 0 : i32
    %c0_i32_0 = arith.constant 0 : i32
    %c0_i32_1 = arith.constant 0 : i32
    return %arg0, %arg1, %c0_i32, %c0_i32_0 : i32, i32, i32, i32
  }
  func.func @transform_2(%arg0: i32, %arg1: i32) -> (i32, i32, i32) {
    %c0_i32 = arith.constant 0 : i32
    %c0_i32_0 = arith.constant 0 : i32
    return %arg0, %c0_i32, %arg1 : i32, i32, i32
  }
  func.func @transform_3(%arg0: i32, %arg1: i32) -> (i32, i32) {
    %c0_i32 = arith.constant 0 : i32
    %c0_i32_0 = arith.constant 0 : i32
    %c0_i32_1 = arith.constant 0 : i32
    return %c0_i32, %c0_i32_0 : i32, i32
  }
  func.func @transform_4(%arg0: i32, %arg1: i32) -> (i32, i32) {
    %c0_i32 = arith.constant 0 : i32
    %c0_i32_0 = arith.constant 0 : i32
    %c0_i32_1 = arith.constant 0 : i32
    return %c0_i32, %c0_i32_0 : i32, i32
  }
  func.func @transform_5(%arg0: i32, %arg1: i32) -> (i32, i32, i32, i32) {
    %c0_i32 = arith.constant 0 : i32
    %c0_i32_0 = arith.constant 0 : i32
    %c0_i32_1 = arith.constant 0 : i32
    return %arg0, %arg1, %c0_i32, %c0_i32_0 : i32, i32, i32, i32
  }
}

module attributes {stable_mosaic.version = 14 : i64} {
  func.func @_select_kernel(%arg0: i32, %arg1: i32, %arg2: memref<1x1x1x2048xf32, #tpu.memory_space<vmem>>, %arg3: memref<1x1x1x2048xi32, #tpu.memory_space<vmem>>, %arg4: memref<1x128x2048xf32, #tpu.memory_space<vmem>>, %arg5: memref<1024x128xf32, #tpu.memory_space<vmem>>, %arg6: memref<1024x128xf32, #tpu.memory_space<vmem>>, %arg7: memref<1x1x1x2048xi32, #tpu.memory_space<vmem>>) attributes {dimension_semantics = [#tpu.dimension_semantics<parallel>, #tpu.dimension_semantics<arbitrary>], iteration_bounds = array<i64: 8, 1>, scalar_prefetch = 0 : i64, scratch_operands = 0 : i64, tpu.core_type = #tpu.core_type<tc>, window_params = [{transform_indices = @transform_0, window_bounds = array<i64: 1, 1, 1, 2048>}, {transform_indices = @transform_1, window_bounds = array<i64: 1, 1, 1, 2048>}, {transform_indices = @transform_2, window_bounds = array<i64: 1, 128, 2048>}, {pipeline_mode = #tpu.pipeline_mode<synchronous>, transform_indices = @transform_3, window_bounds = array<i64: 1024, 128>}, {pipeline_mode = #tpu.pipeline_mode<synchronous>, transform_indices = @transform_4, window_bounds = array<i64: 1024, 128>}, {transform_indices = @transform_5, window_bounds = array<i64: 1, 1, 1, 2048>}]} {
    %get3A = arith.constant 0 : index
    %get3A_0 = arith.constant 0 : index
    %get3A_1 = arith.constant 0 : index
    %get3A_2 = vector.load %arg4[%get3A, %get3A_0, %get3A_1] : memref<1x128x2048xf32, #tpu.memory_space<vmem>>, vector<1x128x2048xf32>
    %get3A_3 = vector.shape_cast %get3A_2 : vector<1x128x2048xf32> to vector<128x2048xf32>
    %get3A_4 = arith.constant 0 : index
    %get3A_5 = arith.constant 0 : index
    %get3A_6 = vector.load %arg5[%get3A_4, %get3A_5] : memref<1024x128xf32, #tpu.memory_space<vmem>>, vector<1024x128xf32>
    %dot_general3A = arith.constant dense<0.000000e+00> : vector<1024x2048xf32>
    %dot_general3A_7 = tpu.matmul %get3A_6, %get3A_3, %dot_general3A {dimension_numbers = #tpu.dot_dimension_numbers<[1], [0], [0], [1], [0, 0, 1, 1], [], []>, transpose_lhs_hint = false} : vector<1024x128xf32>, vector<128x2048xf32>, vector<1024x2048xf32> -> vector<1024x2048xf32>
    %get3A_8 = arith.constant 0 : index
    %get3A_9 = arith.constant 0 : index
    %get3A_10 = arith.constant 0 : index
    %get3A_11 = arith.constant 0 : index
    %get3A_12 = vector.load %arg2[%get3A_8, %get3A_9, %get3A_10, %get3A_11] : memref<1x1x1x2048xf32, #tpu.memory_space<vmem>>, vector<1x1x1x2048xf32>
    %get3A_13 = vector.shape_cast %get3A_12 : vector<1x1x1x2048xf32> to vector<1x2048xf32>
    %get3A_14 = arith.constant 0 : index
    %get3A_15 = arith.constant 0 : index
    %get3A_16 = vector.load %arg6[%get3A_14, %get3A_15] : memref<1024x128xf32, #tpu.memory_space<vmem>>, vector<1024x1xf32>
    %add3A = vector.broadcast %get3A_13 : vector<1x2048xf32> to vector<1024x2048xf32>
    %add3A_17 = vector.broadcast %get3A_16 : vector<1024x1xf32> to vector<1024x2048xf32>
    %add3A_18 = arith.addf %add3A, %add3A_17 : vector<1024x2048xf32>
    %mul3A = arith.constant 2.000000e+00 : f32
    %mul3A_19 = vector.broadcast %mul3A : f32 to vector<1024x2048xf32>
    %mul3A_20 = arith.mulf %mul3A_19, %dot_general3A_7 : vector<1024x2048xf32>
    %sub3A = arith.subf %add3A_18, %mul3A_20 : vector<1024x2048xf32>
    %bitcast_convert_type3A = tpu.bitcast %sub3A : vector<1024x2048xf32> -> vector<1024x2048xi32>
    %shift_right_arithmetic3A = arith.constant 31 : i32
    %shift_right_arithmetic3A_21 = vector.broadcast %shift_right_arithmetic3A : i32 to vector<1024x2048xi32>
    %shift_right_arithmetic3A_22 = arith.shrsi %bitcast_convert_type3A, %shift_right_arithmetic3A_21 : vector<1024x2048xi32>
    %and3A = arith.constant 2147483647 : i32
    %and3A_23 = vector.broadcast %and3A : i32 to vector<1024x2048xi32>
    %and3A_24 = arith.andi %shift_right_arithmetic3A_22, %and3A_23 : vector<1024x2048xi32>
    %xor3A = arith.xori %bitcast_convert_type3A, %and3A_24 : vector<1024x2048xi32>
    %get3A_25 = arith.constant 0 : index
    %get3A_26 = arith.constant 0 : index
    %get3A_27 = arith.constant 0 : index
    %get3A_28 = arith.constant 0 : index
    %get3A_29 = vector.load %arg3[%get3A_25, %get3A_26, %get3A_27, %get3A_28] : memref<1x1x1x2048xi32, #tpu.memory_space<vmem>>, vector<1x1x1x2048xi32>
    %get3A_30 = vector.shape_cast %get3A_29 : vector<1x1x1x2048xi32> to vector<1x2048xi32>
    %convert_element_type3A = arith.sitofp %get3A_30 : vector<1x2048xi32> to vector<1x2048xf32>
    %iota3A = tpu.iota {dimensions = array<i32: 0>} : vector<1024x2048xi32>
    %reduce_min3A = vector.shape_cast %xor3A : vector<1024x2048xi32> to vector<1x1024x2048xi32>
    %reduce_min3A_31 = arith.constant dense<2147483647> : vector<1xi32>
    %reduce_min3A_32 = vector.multi_reduction <minsi>, %reduce_min3A, %reduce_min3A_31 [1, 2] : vector<1x1024x2048xi32> to vector<1xi32>
    %reduce_min3A_33 = vector.shape_cast %reduce_min3A_32 : vector<1xi32> to vector<1x1x1xi32>
    %reduce_min3A_34 = vector.extract %reduce_min3A_33[0, 0, 0] : i32 from vector<1x1x1xi32>
    %reduce_max3A = vector.shape_cast %xor3A : vector<1024x2048xi32> to vector<1x1024x2048xi32>
    %reduce_max3A_35 = arith.constant dense<-2147483648> : vector<1xi32>
    %reduce_max3A_36 = vector.multi_reduction <maxsi>, %reduce_max3A, %reduce_max3A_35 [1, 2] : vector<1x1024x2048xi32> to vector<1xi32>
    %reduce_max3A_37 = vector.shape_cast %reduce_max3A_36 : vector<1xi32> to vector<1x1x1xi32>
    %reduce_max3A_38 = vector.extract %reduce_max3A_37[0, 0, 0] : i32 from vector<1x1x1xi32>
    %xor3A_39 = arith.xori %reduce_min3A_34, %reduce_max3A_38 : i32
    %convert_element_type3A_40 = arith.sitofp %xor3A_39 : i32 to f32
    %bitcast_convert_type3A_41 = arith.bitcast %convert_element_type3A_40 : f32 to i32
    %eq3A = arith.constant 0 : i32
    %eq3A_42 = arith.cmpi eq, %xor3A_39, %eq3A : i32
    %shift_right_arithmetic3A_43 = arith.constant 23 : i32
    %shift_right_arithmetic3A_44 = arith.shrsi %bitcast_convert_type3A_41, %shift_right_arithmetic3A_43 : i32
    %sub3A_45 = arith.constant 127 : i32
    %sub3A_46 = arith.subi %shift_right_arithmetic3A_44, %sub3A_45 : i32
    %jit3A = arith.constant 0 : i32
    %select_n3A = arith.select %eq3A_42, %jit3A, %sub3A_46 : i32
    %lt3A = arith.constant 0 : i32
    %lt3A_47 = arith.cmpi slt, %xor3A_39, %lt3A : i32
    %jit3A_48 = arith.constant 31 : i32
    %select_n3A_49 = arith.select %lt3A_47, %jit3A_48, %select_n3A : i32
    %ge3A = arith.constant 31 : i32
    %ge3A_50 = arith.cmpi sge, %select_n3A_49, %ge3A : i32
    %convert_element_type3A_51 = arith.extui %ge3A_50 : i1 to i32
    %cond3A = arith.constant 0 : i32
    %cond3A_52 = arith.cmpi ne, %convert_element_type3A_51, %cond3A : i32
    %cond3A_53:4 = scf.if %cond3A_52 -> (i32, vector<1x2048xi32>, vector<1x2048xf32>, vector<1x2048xf32>) {
      %lt3A_78 = arith.constant 0 : i32
      %lt3A_79 = vector.broadcast %lt3A_78 : i32 to vector<1024x2048xi32>
      %lt3A_80 = arith.cmpi slt, %xor3A, %lt3A_79 : vector<1024x2048xi32>
      %convert_element_type3A_81 = arith.extui %lt3A_80 : vector<1024x2048xi1> to vector<1024x2048xi32>
      %convert_element_type3A_82 = arith.sitofp %convert_element_type3A_81 : vector<1024x2048xi32> to vector<1024x2048xf32>
      %reduce_sum3A = arith.constant dense<0.000000e+00> : vector<2048xf32>
      %reduce_sum3A_83 = vector.multi_reduction <add>, %convert_element_type3A_82, %reduce_sum3A [0] : vector<1024x2048xf32> to vector<2048xf32>
      %broadcast_in_dim3A = vector.shape_cast %reduce_sum3A_83 : vector<2048xf32> to vector<1x2048xf32>
      %gt3A = arith.cmpf ogt, %broadcast_in_dim3A, %convert_element_type3A : vector<1x2048xf32>
      %jit3A_84 = arith.constant -2147483648 : i32
      %jit3A_85 = arith.constant 0 : i32
      %broadcast_in_dim3A_86 = vector.broadcast %jit3A_84 : i32 to vector<1x2048xi32>
      %broadcast_in_dim3A_87 = vector.broadcast %jit3A_85 : i32 to vector<1x2048xi32>
      %select_n3A_88 = arith.select %gt3A, %broadcast_in_dim3A_86, %broadcast_in_dim3A_87 : vector<1x2048xi1>, vector<1x2048xi32>
      %jit3A_89 = arith.constant 0.000000e+00 : f32
      %broadcast_in_dim3A_90 = vector.broadcast %jit3A_89 : f32 to vector<1x2048xf32>
      %select_n3A_91 = arith.select %gt3A, %broadcast_in_dim3A_90, %broadcast_in_dim3A : vector<1x2048xi1>, vector<1x2048xf32>
      %jit3A_92 = arith.constant 1.024000e+03 : f32
      %broadcast_in_dim3A_93 = vector.broadcast %jit3A_92 : f32 to vector<1x2048xf32>
      %select_n3A_94 = arith.select %gt3A, %broadcast_in_dim3A, %broadcast_in_dim3A_93 : vector<1x2048xi1>, vector<1x2048xf32>
      %cond3A_95 = arith.constant 30 : i32
      scf.yield %cond3A_95, %select_n3A_88, %select_n3A_91, %select_n3A_94 : i32, vector<1x2048xi32>, vector<1x2048xf32>, vector<1x2048xf32>
    } else {
      %add3A_78 = arith.constant 1 : i32
      %add3A_79 = arith.addi %select_n3A_49, %add3A_78 : i32
      %shift_left3A_80 = arith.constant 1 : i32
      %shift_left3A_81 = arith.shli %shift_left3A_80, %add3A_79 : i32
      %sub3A_82 = arith.constant 1 : i32
      %sub3A_83 = arith.subi %shift_left3A_81, %sub3A_82 : i32
      %not3A = arith.constant -1 : i32
      %not3A_84 = arith.xori %sub3A_83, %not3A : i32
      %and3A_85 = arith.andi %reduce_min3A_34, %not3A_84 : i32
      %min3A = arith.constant 30 : i32
      %min3A_86 = arith.minsi %select_n3A_49, %min3A : i32
      %broadcast_in_dim3A = vector.broadcast %and3A_85 : i32 to vector<1x1xi32>
      %broadcast_in_dim3A_87 = vector.shape_cast %broadcast_in_dim3A : vector<1x1xi32> to vector<1x1xi32>
      %broadcast_in_dim3A_88 = vector.broadcast %broadcast_in_dim3A_87 : vector<1x1xi32> to vector<1x2048xi32>
      %broadcast_in_dim3A_89 = arith.constant 0.000000e+00 : f32
      %broadcast_in_dim3A_90 = vector.broadcast %broadcast_in_dim3A_89 : f32 to vector<1x2048xf32>
      %broadcast_in_dim3A_91 = arith.constant 1.024000e+03 : f32
      %broadcast_in_dim3A_92 = vector.broadcast %broadcast_in_dim3A_91 : f32 to vector<1x2048xf32>
      scf.yield %min3A_86, %broadcast_in_dim3A_88, %broadcast_in_dim3A_90, %broadcast_in_dim3A_92 : i32, vector<1x2048xi32>, vector<1x2048xf32>, vector<1x2048xf32>
    }
    %while3A = arith.constant 1.024000e+03 : f32
    %while3A_54:5 = scf.while (%while3A_78 = %cond3A_53#0, %while3A_79 = %cond3A_53#1, %while3A_80 = %cond3A_53#2, %while3A_81 = %cond3A_53#3, %while3A_82 = %while3A) : (i32, vector<1x2048xi32>, vector<1x2048xf32>, vector<1x2048xf32>, f32) -> (i32, vector<1x2048xi32>, vector<1x2048xf32>, vector<1x2048xf32>, f32) {
      %ge3A_83 = arith.constant 0 : i32
      %ge3A_84 = arith.cmpi sge, %while3A_78, %ge3A_83 : i32
      %gt3A = arith.constant 1.500000e+00 : f32
      %gt3A_85 = arith.cmpf ogt, %while3A_82, %gt3A : f32
      %and3A_86 = arith.andi %ge3A_84, %gt3A_85 : i1
      scf.condition(%and3A_86) %while3A_78, %while3A_79, %while3A_80, %while3A_81, %while3A_82 : i32, vector<1x2048xi32>, vector<1x2048xf32>, vector<1x2048xf32>, f32
    } do {
    ^bb0(%while3A_78: i32, %while3A_79: vector<1x2048xi32>, %while3A_80: vector<1x2048xf32>, %while3A_81: vector<1x2048xf32>, %while3A_82: f32):
      %shift_left3A_83 = arith.constant 1 : i32
      %shift_left3A_84 = arith.shli %shift_left3A_83, %while3A_78 : i32
      %add3A_85 = vector.broadcast %shift_left3A_84 : i32 to vector<1x2048xi32>
      %add3A_86 = arith.addi %while3A_79, %add3A_85 : vector<1x2048xi32>
      %lt3A_87 = vector.broadcast %add3A_86 : vector<1x2048xi32> to vector<1024x2048xi32>
      %lt3A_88 = arith.cmpi slt, %xor3A, %lt3A_87 : vector<1024x2048xi32>
      %convert_element_type3A_89 = arith.extui %lt3A_88 : vector<1024x2048xi1> to vector<1024x2048xi32>
      %convert_element_type3A_90 = arith.sitofp %convert_element_type3A_89 : vector<1024x2048xi32> to vector<1024x2048xf32>
      %reduce_sum3A = arith.constant dense<0.000000e+00> : vector<2048xf32>
      %reduce_sum3A_91 = vector.multi_reduction <add>, %convert_element_type3A_90, %reduce_sum3A [0] : vector<1024x2048xf32> to vector<2048xf32>
      %broadcast_in_dim3A = vector.shape_cast %reduce_sum3A_91 : vector<2048xf32> to vector<1x2048xf32>
      %le3A_92 = arith.cmpf ole, %broadcast_in_dim3A, %convert_element_type3A : vector<1x2048xf32>
      %select_n3A_93 = arith.select %le3A_92, %add3A_86, %while3A_79 : vector<1x2048xi1>, vector<1x2048xi32>
      %select_n3A_94 = arith.select %le3A_92, %broadcast_in_dim3A, %while3A_80 : vector<1x2048xi1>, vector<1x2048xf32>
      %select_n3A_95 = arith.select %le3A_92, %while3A_81, %broadcast_in_dim3A : vector<1x2048xi1>, vector<1x2048xf32>
      %sub3A_96 = arith.constant 1 : i32
      %sub3A_97 = arith.subi %while3A_78, %sub3A_96 : i32
      %sub3A_98 = arith.subf %select_n3A_95, %select_n3A_94 : vector<1x2048xf32>
      %reduce_max3A_99 = vector.shape_cast %sub3A_98 : vector<1x2048xf32> to vector<1x1x2048xf32>
      %reduce_max3A_100 = arith.constant dense<0xFF800000> : vector<1xf32>
      %reduce_max3A_101 = vector.multi_reduction <maximumf>, %reduce_max3A_99, %reduce_max3A_100 [1, 2] : vector<1x1x2048xf32> to vector<1xf32>
      %reduce_max3A_102 = vector.shape_cast %reduce_max3A_101 : vector<1xf32> to vector<1x1x1xf32>
      %reduce_max3A_103 = vector.extract %reduce_max3A_102[0, 0, 0] : f32 from vector<1x1x1xf32>
      scf.yield %sub3A_97, %select_n3A_93, %select_n3A_94, %select_n3A_95, %reduce_max3A_103 : i32, vector<1x2048xi32>, vector<1x2048xf32>, vector<1x2048xf32>, f32
    }
    %add3A_55 = arith.constant 1 : i32
    %add3A_56 = arith.addi %while3A_54#0, %add3A_55 : i32
    %shift_left3A = arith.constant 1 : i32
    %shift_left3A_57 = arith.shli %shift_left3A, %add3A_56 : i32
    %sub3A_58 = arith.constant 1 : i32
    %sub3A_59 = arith.subi %shift_left3A_57, %sub3A_58 : i32
    %add3A_60 = vector.broadcast %sub3A_59 : i32 to vector<1x2048xi32>
    %add3A_61 = arith.addi %while3A_54#1, %add3A_60 : vector<1x2048xi32>
    %ge3A_62 = vector.broadcast %while3A_54#1 : vector<1x2048xi32> to vector<1024x2048xi32>
    %ge3A_63 = arith.cmpi sge, %xor3A, %ge3A_62 : vector<1024x2048xi32>
    %le3A = vector.broadcast %add3A_61 : vector<1x2048xi32> to vector<1024x2048xi32>
    %le3A_64 = arith.cmpi sle, %xor3A, %le3A : vector<1024x2048xi32>
    %and3A_65 = arith.andi %ge3A_63, %le3A_64 : vector<1024x2048xi1>
    %le3A_66 = arith.constant 1.500000e+00 : f32
    %le3A_67 = arith.cmpf ole, %while3A_54#4, %le3A_66 : f32
    %convert_element_type3A_68 = arith.extui %le3A_67 : i1 to i32
    %cond3A_69 = arith.constant 0 : i32
    %cond3A_70 = arith.cmpi ne, %convert_element_type3A_68, %cond3A_69 : i32
    %cond3A_71 = scf.if %cond3A_70 -> (vector<1x2048xi32>) {
      %jit3A_78 = arith.constant 0 : i32
      %broadcast_in_dim3A = vector.broadcast %jit3A_78 : i32 to vector<1024x2048xi32>
      %select_n3A_79 = arith.select %and3A_65, %iota3A, %broadcast_in_dim3A : vector<1024x2048xi1>, vector<1024x2048xi32>
      %reduce_sum3A = arith.constant dense<0> : vector<2048xi32>
      %reduce_sum3A_80 = vector.multi_reduction <add>, %select_n3A_79, %reduce_sum3A [0] : vector<1024x2048xi32> to vector<2048xi32>
      %broadcast_in_dim3A_81 = vector.shape_cast %reduce_sum3A_80 : vector<2048xi32> to vector<1x2048xi32>
      scf.yield %broadcast_in_dim3A_81 : vector<1x2048xi32>
    } else {
      %sub3A_78 = arith.subf %convert_element_type3A, %while3A_54#2 : vector<1x2048xf32>
      %reduce_max3A_79 = vector.shape_cast %sub3A_78 : vector<1x2048xf32> to vector<1x1x2048xf32>
      %reduce_max3A_80 = arith.constant dense<0xFF800000> : vector<1xf32>
      %reduce_max3A_81 = vector.multi_reduction <maximumf>, %reduce_max3A_79, %reduce_max3A_80 [1, 2] : vector<1x1x2048xf32> to vector<1xf32>
      %reduce_max3A_82 = vector.shape_cast %reduce_max3A_81 : vector<1xf32> to vector<1x1x1xf32>
      %reduce_max3A_83 = vector.extract %reduce_max3A_82[0, 0, 0] : f32 from vector<1x1x1xf32>
      %le3A_84 = arith.constant 5.000000e-01 : f32
      %le3A_85 = arith.cmpf ole, %reduce_max3A_83, %le3A_84 : f32
      %convert_element_type3A_86 = arith.extui %le3A_85 : i1 to i32
      %cond3A_87 = arith.constant 0 : i32
      %cond3A_88 = arith.cmpi ne, %convert_element_type3A_86, %cond3A_87 : i32
      %cond3A_89 = scf.if %cond3A_88 -> (vector<1x2048xi32>) {
        %jit3A_90 = arith.constant 1024 : i32
        %broadcast_in_dim3A = vector.broadcast %jit3A_90 : i32 to vector<1024x2048xi32>
        %select_n3A_91 = arith.select %and3A_65, %iota3A, %broadcast_in_dim3A : vector<1024x2048xi1>, vector<1024x2048xi32>
        %reduce_min3A_92 = arith.constant dense<2147483647> : vector<2048xi32>
        %reduce_min3A_93 = vector.multi_reduction <minsi>, %select_n3A_91, %reduce_min3A_92 [0] : vector<1024x2048xi32> to vector<2048xi32>
        %broadcast_in_dim3A_94 = vector.shape_cast %reduce_min3A_93 : vector<2048xi32> to vector<1x2048xi32>
        scf.yield %broadcast_in_dim3A_94 : vector<1x2048xi32>
      } else {
        %broadcast_in_dim3A = arith.constant 0 : i32
        %broadcast_in_dim3A_90 = vector.broadcast %broadcast_in_dim3A : i32 to vector<1x2048xi32>
        %add3A_91 = arith.constant 512 : i32
        %add3A_92 = vector.broadcast %add3A_91 : i32 to vector<1x2048xi32>
        %add3A_93 = arith.addi %broadcast_in_dim3A_90, %add3A_92 : vector<1x2048xi32>
        %lt3A_94 = vector.broadcast %add3A_93 : vector<1x2048xi32> to vector<1024x2048xi32>
        %lt3A_95 = arith.cmpi slt, %iota3A, %lt3A_94 : vector<1024x2048xi32>
        %and3A_96 = arith.andi %and3A_65, %lt3A_95 : vector<1024x2048xi1>
        %jit3A_97 = arith.constant 1.000000e+00 : f32
        %jit3A_98 = arith.constant 0.000000e+00 : f32
        %broadcast_in_dim3A_99 = vector.broadcast %jit3A_97 : f32 to vector<1024x2048xf32>
        %broadcast_in_dim3A_100 = vector.broadcast %jit3A_98 : f32 to vector<1024x2048xf32>
        %select_n3A_101 = arith.select %and3A_96, %broadcast_in_dim3A_99, %broadcast_in_dim3A_100 : vector<1024x2048xi1>, vector<1024x2048xf32>
        %reduce_sum3A = arith.constant dense<0.000000e+00> : vector<2048xf32>
        %reduce_sum3A_102 = vector.multi_reduction <add>, %select_n3A_101, %reduce_sum3A [0] : vector<1024x2048xf32> to vector<2048xf32>
        %broadcast_in_dim3A_103 = vector.shape_cast %reduce_sum3A_102 : vector<2048xf32> to vector<1x2048xf32>
        %le3A_104 = arith.cmpf ole, %broadcast_in_dim3A_103, %sub3A_78 : vector<1x2048xf32>
        %select_n3A_105 = arith.select %le3A_104, %add3A_93, %broadcast_in_dim3A_90 : vector<1x2048xi1>, vector<1x2048xi32>
        %add3A_106 = arith.constant 256 : i32
        %add3A_107 = vector.broadcast %add3A_106 : i32 to vector<1x2048xi32>
        %add3A_108 = arith.addi %select_n3A_105, %add3A_107 : vector<1x2048xi32>
        %lt3A_109 = vector.broadcast %add3A_108 : vector<1x2048xi32> to vector<1024x2048xi32>
        %lt3A_110 = arith.cmpi slt, %iota3A, %lt3A_109 : vector<1024x2048xi32>
        %and3A_111 = arith.andi %and3A_65, %lt3A_110 : vector<1024x2048xi1>
        %jit3A_112 = arith.constant 1.000000e+00 : f32
        %jit3A_113 = arith.constant 0.000000e+00 : f32
        %broadcast_in_dim3A_114 = vector.broadcast %jit3A_112 : f32 to vector<1024x2048xf32>
        %broadcast_in_dim3A_115 = vector.broadcast %jit3A_113 : f32 to vector<1024x2048xf32>
        %select_n3A_116 = arith.select %and3A_111, %broadcast_in_dim3A_114, %broadcast_in_dim3A_115 : vector<1024x2048xi1>, vector<1024x2048xf32>
        %reduce_sum3A_117 = arith.constant dense<0.000000e+00> : vector<2048xf32>
        %reduce_sum3A_118 = vector.multi_reduction <add>, %select_n3A_116, %reduce_sum3A_117 [0] : vector<1024x2048xf32> to vector<2048xf32>
        %broadcast_in_dim3A_119 = vector.shape_cast %reduce_sum3A_118 : vector<2048xf32> to vector<1x2048xf32>
        %le3A_120 = arith.cmpf ole, %broadcast_in_dim3A_119, %sub3A_78 : vector<1x2048xf32>
        %select_n3A_121 = arith.select %le3A_120, %add3A_108, %select_n3A_105 : vector<1x2048xi1>, vector<1x2048xi32>
        %add3A_122 = arith.constant 128 : i32
        %add3A_123 = vector.broadcast %add3A_122 : i32 to vector<1x2048xi32>
        %add3A_124 = arith.addi %select_n3A_121, %add3A_123 : vector<1x2048xi32>
        %lt3A_125 = vector.broadcast %add3A_124 : vector<1x2048xi32> to vector<1024x2048xi32>
        %lt3A_126 = arith.cmpi slt, %iota3A, %lt3A_125 : vector<1024x2048xi32>
        %and3A_127 = arith.andi %and3A_65, %lt3A_126 : vector<1024x2048xi1>
        %jit3A_128 = arith.constant 1.000000e+00 : f32
        %jit3A_129 = arith.constant 0.000000e+00 : f32
        %broadcast_in_dim3A_130 = vector.broadcast %jit3A_128 : f32 to vector<1024x2048xf32>
        %broadcast_in_dim3A_131 = vector.broadcast %jit3A_129 : f32 to vector<1024x2048xf32>
        %select_n3A_132 = arith.select %and3A_127, %broadcast_in_dim3A_130, %broadcast_in_dim3A_131 : vector<1024x2048xi1>, vector<1024x2048xf32>
        %reduce_sum3A_133 = arith.constant dense<0.000000e+00> : vector<2048xf32>
        %reduce_sum3A_134 = vector.multi_reduction <add>, %select_n3A_132, %reduce_sum3A_133 [0] : vector<1024x2048xf32> to vector<2048xf32>
        %broadcast_in_dim3A_135 = vector.shape_cast %reduce_sum3A_134 : vector<2048xf32> to vector<1x2048xf32>
        %le3A_136 = arith.cmpf ole, %broadcast_in_dim3A_135, %sub3A_78 : vector<1x2048xf32>
        %select_n3A_137 = arith.select %le3A_136, %add3A_124, %select_n3A_121 : vector<1x2048xi1>, vector<1x2048xi32>
        %add3A_138 = arith.constant 64 : i32
        %add3A_139 = vector.broadcast %add3A_138 : i32 to vector<1x2048xi32>
        %add3A_140 = arith.addi %select_n3A_137, %add3A_139 : vector<1x2048xi32>
        %lt3A_141 = vector.broadcast %add3A_140 : vector<1x2048xi32> to vector<1024x2048xi32>
        %lt3A_142 = arith.cmpi slt, %iota3A, %lt3A_141 : vector<1024x2048xi32>
        %and3A_143 = arith.andi %and3A_65, %lt3A_142 : vector<1024x2048xi1>
        %jit3A_144 = arith.constant 1.000000e+00 : f32
        %jit3A_145 = arith.constant 0.000000e+00 : f32
        %broadcast_in_dim3A_146 = vector.broadcast %jit3A_144 : f32 to vector<1024x2048xf32>
        %broadcast_in_dim3A_147 = vector.broadcast %jit3A_145 : f32 to vector<1024x2048xf32>
        %select_n3A_148 = arith.select %and3A_143, %broadcast_in_dim3A_146, %broadcast_in_dim3A_147 : vector<1024x2048xi1>, vector<1024x2048xf32>
        %reduce_sum3A_149 = arith.constant dense<0.000000e+00> : vector<2048xf32>
        %reduce_sum3A_150 = vector.multi_reduction <add>, %select_n3A_148, %reduce_sum3A_149 [0] : vector<1024x2048xf32> to vector<2048xf32>
        %broadcast_in_dim3A_151 = vector.shape_cast %reduce_sum3A_150 : vector<2048xf32> to vector<1x2048xf32>
        %le3A_152 = arith.cmpf ole, %broadcast_in_dim3A_151, %sub3A_78 : vector<1x2048xf32>
        %select_n3A_153 = arith.select %le3A_152, %add3A_140, %select_n3A_137 : vector<1x2048xi1>, vector<1x2048xi32>
        %add3A_154 = arith.constant 32 : i32
        %add3A_155 = vector.broadcast %add3A_154 : i32 to vector<1x2048xi32>
        %add3A_156 = arith.addi %select_n3A_153, %add3A_155 : vector<1x2048xi32>
        %lt3A_157 = vector.broadcast %add3A_156 : vector<1x2048xi32> to vector<1024x2048xi32>
        %lt3A_158 = arith.cmpi slt, %iota3A, %lt3A_157 : vector<1024x2048xi32>
        %and3A_159 = arith.andi %and3A_65, %lt3A_158 : vector<1024x2048xi1>
        %jit3A_160 = arith.constant 1.000000e+00 : f32
        %jit3A_161 = arith.constant 0.000000e+00 : f32
        %broadcast_in_dim3A_162 = vector.broadcast %jit3A_160 : f32 to vector<1024x2048xf32>
        %broadcast_in_dim3A_163 = vector.broadcast %jit3A_161 : f32 to vector<1024x2048xf32>
        %select_n3A_164 = arith.select %and3A_159, %broadcast_in_dim3A_162, %broadcast_in_dim3A_163 : vector<1024x2048xi1>, vector<1024x2048xf32>
        %reduce_sum3A_165 = arith.constant dense<0.000000e+00> : vector<2048xf32>
        %reduce_sum3A_166 = vector.multi_reduction <add>, %select_n3A_164, %reduce_sum3A_165 [0] : vector<1024x2048xf32> to vector<2048xf32>
        %broadcast_in_dim3A_167 = vector.shape_cast %reduce_sum3A_166 : vector<2048xf32> to vector<1x2048xf32>
        %le3A_168 = arith.cmpf ole, %broadcast_in_dim3A_167, %sub3A_78 : vector<1x2048xf32>
        %select_n3A_169 = arith.select %le3A_168, %add3A_156, %select_n3A_153 : vector<1x2048xi1>, vector<1x2048xi32>
        %add3A_170 = arith.constant 16 : i32
        %add3A_171 = vector.broadcast %add3A_170 : i32 to vector<1x2048xi32>
        %add3A_172 = arith.addi %select_n3A_169, %add3A_171 : vector<1x2048xi32>
        %lt3A_173 = vector.broadcast %add3A_172 : vector<1x2048xi32> to vector<1024x2048xi32>
        %lt3A_174 = arith.cmpi slt, %iota3A, %lt3A_173 : vector<1024x2048xi32>
        %and3A_175 = arith.andi %and3A_65, %lt3A_174 : vector<1024x2048xi1>
        %jit3A_176 = arith.constant 1.000000e+00 : f32
        %jit3A_177 = arith.constant 0.000000e+00 : f32
        %broadcast_in_dim3A_178 = vector.broadcast %jit3A_176 : f32 to vector<1024x2048xf32>
        %broadcast_in_dim3A_179 = vector.broadcast %jit3A_177 : f32 to vector<1024x2048xf32>
        %select_n3A_180 = arith.select %and3A_175, %broadcast_in_dim3A_178, %broadcast_in_dim3A_179 : vector<1024x2048xi1>, vector<1024x2048xf32>
        %reduce_sum3A_181 = arith.constant dense<0.000000e+00> : vector<2048xf32>
        %reduce_sum3A_182 = vector.multi_reduction <add>, %select_n3A_180, %reduce_sum3A_181 [0] : vector<1024x2048xf32> to vector<2048xf32>
        %broadcast_in_dim3A_183 = vector.shape_cast %reduce_sum3A_182 : vector<2048xf32> to vector<1x2048xf32>
        %le3A_184 = arith.cmpf ole, %broadcast_in_dim3A_183, %sub3A_78 : vector<1x2048xf32>
        %select_n3A_185 = arith.select %le3A_184, %add3A_172, %select_n3A_169 : vector<1x2048xi1>, vector<1x2048xi32>
        %add3A_186 = arith.constant 8 : i32
        %add3A_187 = vector.broadcast %add3A_186 : i32 to vector<1x2048xi32>
        %add3A_188 = arith.addi %select_n3A_185, %add3A_187 : vector<1x2048xi32>
        %lt3A_189 = vector.broadcast %add3A_188 : vector<1x2048xi32> to vector<1024x2048xi32>
        %lt3A_190 = arith.cmpi slt, %iota3A, %lt3A_189 : vector<1024x2048xi32>
        %and3A_191 = arith.andi %and3A_65, %lt3A_190 : vector<1024x2048xi1>
        %jit3A_192 = arith.constant 1.000000e+00 : f32
        %jit3A_193 = arith.constant 0.000000e+00 : f32
        %broadcast_in_dim3A_194 = vector.broadcast %jit3A_192 : f32 to vector<1024x2048xf32>
        %broadcast_in_dim3A_195 = vector.broadcast %jit3A_193 : f32 to vector<1024x2048xf32>
        %select_n3A_196 = arith.select %and3A_191, %broadcast_in_dim3A_194, %broadcast_in_dim3A_195 : vector<1024x2048xi1>, vector<1024x2048xf32>
        %reduce_sum3A_197 = arith.constant dense<0.000000e+00> : vector<2048xf32>
        %reduce_sum3A_198 = vector.multi_reduction <add>, %select_n3A_196, %reduce_sum3A_197 [0] : vector<1024x2048xf32> to vector<2048xf32>
        %broadcast_in_dim3A_199 = vector.shape_cast %reduce_sum3A_198 : vector<2048xf32> to vector<1x2048xf32>
        %le3A_200 = arith.cmpf ole, %broadcast_in_dim3A_199, %sub3A_78 : vector<1x2048xf32>
        %select_n3A_201 = arith.select %le3A_200, %add3A_188, %select_n3A_185 : vector<1x2048xi1>, vector<1x2048xi32>
        %add3A_202 = arith.constant 4 : i32
        %add3A_203 = vector.broadcast %add3A_202 : i32 to vector<1x2048xi32>
        %add3A_204 = arith.addi %select_n3A_201, %add3A_203 : vector<1x2048xi32>
        %lt3A_205 = vector.broadcast %add3A_204 : vector<1x2048xi32> to vector<1024x2048xi32>
        %lt3A_206 = arith.cmpi slt, %iota3A, %lt3A_205 : vector<1024x2048xi32>
        %and3A_207 = arith.andi %and3A_65, %lt3A_206 : vector<1024x2048xi1>
        %jit3A_208 = arith.constant 1.000000e+00 : f32
        %jit3A_209 = arith.constant 0.000000e+00 : f32
        %broadcast_in_dim3A_210 = vector.broadcast %jit3A_208 : f32 to vector<1024x2048xf32>
        %broadcast_in_dim3A_211 = vector.broadcast %jit3A_209 : f32 to vector<1024x2048xf32>
        %select_n3A_212 = arith.select %and3A_207, %broadcast_in_dim3A_210, %broadcast_in_dim3A_211 : vector<1024x2048xi1>, vector<1024x2048xf32>
        %reduce_sum3A_213 = arith.constant dense<0.000000e+00> : vector<2048xf32>
        %reduce_sum3A_214 = vector.multi_reduction <add>, %select_n3A_212, %reduce_sum3A_213 [0] : vector<1024x2048xf32> to vector<2048xf32>
        %broadcast_in_dim3A_215 = vector.shape_cast %reduce_sum3A_214 : vector<2048xf32> to vector<1x2048xf32>
        %le3A_216 = arith.cmpf ole, %broadcast_in_dim3A_215, %sub3A_78 : vector<1x2048xf32>
        %select_n3A_217 = arith.select %le3A_216, %add3A_204, %select_n3A_201 : vector<1x2048xi1>, vector<1x2048xi32>
        %add3A_218 = arith.constant 2 : i32
        %add3A_219 = vector.broadcast %add3A_218 : i32 to vector<1x2048xi32>
        %add3A_220 = arith.addi %select_n3A_217, %add3A_219 : vector<1x2048xi32>
        %lt3A_221 = vector.broadcast %add3A_220 : vector<1x2048xi32> to vector<1024x2048xi32>
        %lt3A_222 = arith.cmpi slt, %iota3A, %lt3A_221 : vector<1024x2048xi32>
        %and3A_223 = arith.andi %and3A_65, %lt3A_222 : vector<1024x2048xi1>
        %jit3A_224 = arith.constant 1.000000e+00 : f32
        %jit3A_225 = arith.constant 0.000000e+00 : f32
        %broadcast_in_dim3A_226 = vector.broadcast %jit3A_224 : f32 to vector<1024x2048xf32>
        %broadcast_in_dim3A_227 = vector.broadcast %jit3A_225 : f32 to vector<1024x2048xf32>
        %select_n3A_228 = arith.select %and3A_223, %broadcast_in_dim3A_226, %broadcast_in_dim3A_227 : vector<1024x2048xi1>, vector<1024x2048xf32>
        %reduce_sum3A_229 = arith.constant dense<0.000000e+00> : vector<2048xf32>
        %reduce_sum3A_230 = vector.multi_reduction <add>, %select_n3A_228, %reduce_sum3A_229 [0] : vector<1024x2048xf32> to vector<2048xf32>
        %broadcast_in_dim3A_231 = vector.shape_cast %reduce_sum3A_230 : vector<2048xf32> to vector<1x2048xf32>
        %le3A_232 = arith.cmpf ole, %broadcast_in_dim3A_231, %sub3A_78 : vector<1x2048xf32>
        %select_n3A_233 = arith.select %le3A_232, %add3A_220, %select_n3A_217 : vector<1x2048xi1>, vector<1x2048xi32>
        %add3A_234 = arith.constant 1 : i32
        %add3A_235 = vector.broadcast %add3A_234 : i32 to vector<1x2048xi32>
        %add3A_236 = arith.addi %select_n3A_233, %add3A_235 : vector<1x2048xi32>
        %lt3A_237 = vector.broadcast %add3A_236 : vector<1x2048xi32> to vector<1024x2048xi32>
        %lt3A_238 = arith.cmpi slt, %iota3A, %lt3A_237 : vector<1024x2048xi32>
        %and3A_239 = arith.andi %and3A_65, %lt3A_238 : vector<1024x2048xi1>
        %jit3A_240 = arith.constant 1.000000e+00 : f32
        %jit3A_241 = arith.constant 0.000000e+00 : f32
        %broadcast_in_dim3A_242 = vector.broadcast %jit3A_240 : f32 to vector<1024x2048xf32>
        %broadcast_in_dim3A_243 = vector.broadcast %jit3A_241 : f32 to vector<1024x2048xf32>
        %select_n3A_244 = arith.select %and3A_239, %broadcast_in_dim3A_242, %broadcast_in_dim3A_243 : vector<1024x2048xi1>, vector<1024x2048xf32>
        %reduce_sum3A_245 = arith.constant dense<0.000000e+00> : vector<2048xf32>
        %reduce_sum3A_246 = vector.multi_reduction <add>, %select_n3A_244, %reduce_sum3A_245 [0] : vector<1024x2048xf32> to vector<2048xf32>
        %broadcast_in_dim3A_247 = vector.shape_cast %reduce_sum3A_246 : vector<2048xf32> to vector<1x2048xf32>
        %le3A_248 = arith.cmpf ole, %broadcast_in_dim3A_247, %sub3A_78 : vector<1x2048xf32>
        %select_n3A_249 = arith.select %le3A_248, %add3A_236, %select_n3A_233 : vector<1x2048xi1>, vector<1x2048xi32>
        scf.yield %select_n3A_249 : vector<1x2048xi32>
      }
      scf.yield %cond3A_89 : vector<1x2048xi32>
    }
    %swap3A = arith.constant 0 : index
    %swap3A_72 = arith.constant 0 : index
    %swap3A_73 = arith.constant 0 : index
    %swap3A_74 = arith.constant 0 : index
    %swap3A_75 = vector.load %arg7[%swap3A, %swap3A_72, %swap3A_73, %swap3A_74] : memref<1x1x1x2048xi32, #tpu.memory_space<vmem>>, vector<1x1x1x2048xi32>
    %swap3A_76 = vector.shape_cast %swap3A_75 : vector<1x1x1x2048xi32> to vector<1x2048xi32>
    %swap3A_77 = vector.shape_cast %cond3A_71 : vector<1x2048xi32> to vector<1x1x1x2048xi32>
    tpu.vector_store %arg7[%swap3A, %swap3A_72, %swap3A_73, %swap3A_74], %swap3A_77 {strides = array<i32>} : memref<1x1x1x2048xi32, #tpu.memory_space<vmem>>, vector<1x1x1x2048xi32>,
    return
  }
  func.func @transform_0(%arg0: i32, %arg1: i32) -> (i32, i32, i32, i32) {
    %c0_i32 = arith.constant 0 : i32
    %c0_i32_0 = arith.constant 0 : i32
    %c0_i32_1 = arith.constant 0 : i32
    return %arg0, %arg1, %c0_i32, %c0_i32_0 : i32, i32, i32, i32
  }
  func.func @transform_1(%arg0: i32, %arg1: i32) -> (i32, i32, i32, i32) {
    %c0_i32 = arith.constant 0 : i32
    %c0_i32_0 = arith.constant 0 : i32
    %c0_i32_1 = arith.constant 0 : i32
    return %arg0, %arg1, %c0_i32, %c0_i32_0 : i32, i32, i32, i32
  }
  func.func @transform_2(%arg0: i32, %arg1: i32) -> (i32, i32, i32) {
    %c0_i32 = arith.constant 0 : i32
    %c0_i32_0 = arith.constant 0 : i32
    return %arg0, %c0_i32, %arg1 : i32, i32, i32
  }
  func.func @transform_3(%arg0: i32, %arg1: i32) -> (i32, i32) {
    %c0_i32 = arith.constant 0 : i32
    %c0_i32_0 = arith.constant 0 : i32
    %c0_i32_1 = arith.constant 0 : i32
    return %c0_i32, %c0_i32_0 : i32, i32
  }
  func.func @transform_4(%arg0: i32, %arg1: i32) -> (i32, i32) {
    %c0_i32 = arith.constant 0 : i32
    %c0_i32_0 = arith.constant 0 : i32
    %c0_i32_1 = arith.constant 0 : i32
    return %c0_i32, %c0_i32_0 : i32, i32
  }
  func.func @transform_5(%arg0: i32, %arg1: i32) -> (i32, i32, i32, i32) {
    %c0_i32 = arith.constant 0 : i32
    %c0_i32_0 = arith.constant 0 : i32
    %c0_i32_1 = arith.constant 0 : i32
    return %arg0, %arg1, %c0_i32, %c0_i32_0 : i32, i32, i32, i32
  }
}

module attributes {stable_mosaic.version = 14 : i64} {
  func.func @_blend_kernel(%arg0: i32, %arg1: i32, %arg2: memref<1x1x4096x128xf32, #tpu.memory_space<vmem>>, %arg3: memref<1x128x4096xf32, #tpu.memory_space<vmem>>, %arg4: memref<1x1x1x4096xf32, #tpu.memory_space<vmem>>, %arg5: memref<1x128x4096xf32, #tpu.memory_space<vmem>>) attributes {dimension_semantics = [#tpu.dimension_semantics<parallel>, #tpu.dimension_semantics<arbitrary>], iteration_bounds = array<i64: 8, 2>, scalar_prefetch = 0 : i64, scratch_operands = 0 : i64, tpu.core_type = #tpu.core_type<tc>, window_params = [{transform_indices = @transform_0, window_bounds = array<i64: 1, 1, 4096, 128>}, {transform_indices = @transform_1, window_bounds = array<i64: 1, 128, 4096>}, {transform_indices = @transform_2, window_bounds = array<i64: 1, 1, 1, 4096>}, {transform_indices = @transform_3, window_bounds = array<i64: 1, 128, 4096>}]} {
    %get3A = arith.constant 0 : index
    %get3A_0 = arith.constant 0 : index
    %get3A_1 = arith.constant 0 : index
    %get3A_2 = arith.constant 0 : index
    %get3A_3 = vector.load %arg2[%get3A, %get3A_0, %get3A_1, %get3A_2] : memref<1x1x4096x128xf32, #tpu.memory_space<vmem>>, vector<1x1x4096x128xf32>
    %get3A_4 = vector.shape_cast %get3A_3 : vector<1x1x4096x128xf32> to vector<4096x128xf32>
    %transpose3A = tpu.transpose %get3A_4, [1, 0] : vector<4096x128xf32> -> vector<128x4096xf32>
    %get3A_5 = arith.constant 0 : index
    %get3A_6 = arith.constant 0 : index
    %get3A_7 = arith.constant 0 : index
    %get3A_8 = arith.constant 0 : index
    %get3A_9 = vector.load %arg4[%get3A_5, %get3A_6, %get3A_7, %get3A_8] : memref<1x1x1x4096xf32, #tpu.memory_space<vmem>>, vector<1x1x1x4096xf32>
    %get3A_10 = vector.shape_cast %get3A_9 : vector<1x1x1x4096xf32> to vector<1x4096xf32>
    %mul3A = vector.broadcast %get3A_10 : vector<1x4096xf32> to vector<128x4096xf32>
    %mul3A_11 = arith.mulf %mul3A, %transpose3A : vector<128x4096xf32>
    %sub3A = arith.constant 1.000000e+00 : f32
    %sub3A_12 = vector.broadcast %sub3A : f32 to vector<1x4096xf32>
    %sub3A_13 = arith.subf %sub3A_12, %get3A_10 : vector<1x4096xf32>
    %get3A_14 = arith.constant 0 : index
    %get3A_15 = arith.constant 0 : index
    %get3A_16 = arith.constant 0 : index
    %get3A_17 = vector.load %arg3[%get3A_14, %get3A_15, %get3A_16] : memref<1x128x4096xf32, #tpu.memory_space<vmem>>, vector<1x128x4096xf32>
    %get3A_18 = vector.shape_cast %get3A_17 : vector<1x128x4096xf32> to vector<128x4096xf32>
    %mul3A_19 = vector.broadcast %sub3A_13 : vector<1x4096xf32> to vector<128x4096xf32>
    %mul3A_20 = arith.mulf %mul3A_19, %get3A_18 : vector<128x4096xf32>
    %add3A = arith.addf %mul3A_11, %mul3A_20 : vector<128x4096xf32>
    %swap3A = arith.constant 0 : index
    %swap3A_21 = arith.constant 0 : index
    %swap3A_22 = arith.constant 0 : index
    %swap3A_23 = vector.load %arg5[%swap3A, %swap3A_21, %swap3A_22] : memref<1x128x4096xf32, #tpu.memory_space<vmem>>, vector<1x128x4096xf32>
    %swap3A_24 = vector.shape_cast %swap3A_23 : vector<1x128x4096xf32> to vector<128x4096xf32>
    %swap3A_25 = vector.shape_cast %add3A : vector<128x4096xf32> to vector<1x128x4096xf32>
    tpu.vector_store %arg5[%swap3A, %swap3A_21, %swap3A_22], %swap3A_25 {strides = array<i32>} : memref<1x128x4096xf32, #tpu.memory_space<vmem>>, vector<1x128x4096xf32>,
    return
  }
  func.func @transform_0(%arg0: i32, %arg1: i32) -> (i32, i32, i32, i32) {
    %c0_i32 = arith.constant 0 : i32
    %c0_i32_0 = arith.constant 0 : i32
    %c0_i32_1 = arith.constant 0 : i32
    return %arg0, %arg1, %c0_i32, %c0_i32_0 : i32, i32, i32, i32
  }
  func.func @transform_1(%arg0: i32, %arg1: i32) -> (i32, i32, i32) {
    %c0_i32 = arith.constant 0 : i32
    %c0_i32_0 = arith.constant 0 : i32
    return %arg0, %c0_i32, %arg1 : i32, i32, i32
  }
  func.func @transform_2(%arg0: i32, %arg1: i32) -> (i32, i32, i32, i32) {
    %c0_i32 = arith.constant 0 : i32
    %c0_i32_0 = arith.constant 0 : i32
    %c0_i32_1 = arith.constant 0 : i32
    return %arg0, %arg1, %c0_i32, %c0_i32_0 : i32, i32, i32, i32
  }
  func.func @transform_3(%arg0: i32, %arg1: i32) -> (i32, i32, i32) {
    %c0_i32 = arith.constant 0 : i32
    %c0_i32_0 = arith.constant 0 : i32
    return %arg0, %c0_i32, %arg1 : i32, i32, i32
  }
}

module attributes {stable_mosaic.version = 14 : i64} {
  func.func @_blend_kernel(%arg0: i32, %arg1: i32, %arg2: memref<1x1x2048x128xf32, #tpu.memory_space<vmem>>, %arg3: memref<1x128x2048xf32, #tpu.memory_space<vmem>>, %arg4: memref<1x1x1x2048xf32, #tpu.memory_space<vmem>>, %arg5: memref<1x128x2048xf32, #tpu.memory_space<vmem>>) attributes {dimension_semantics = [#tpu.dimension_semantics<parallel>, #tpu.dimension_semantics<arbitrary>], iteration_bounds = array<i64: 8, 1>, scalar_prefetch = 0 : i64, scratch_operands = 0 : i64, tpu.core_type = #tpu.core_type<tc>, window_params = [{transform_indices = @transform_0, window_bounds = array<i64: 1, 1, 2048, 128>}, {transform_indices = @transform_1, window_bounds = array<i64: 1, 128, 2048>}, {transform_indices = @transform_2, window_bounds = array<i64: 1, 1, 1, 2048>}, {transform_indices = @transform_3, window_bounds = array<i64: 1, 128, 2048>}]} {
    %get3A = arith.constant 0 : index
    %get3A_0 = arith.constant 0 : index
    %get3A_1 = arith.constant 0 : index
    %get3A_2 = arith.constant 0 : index
    %get3A_3 = vector.load %arg2[%get3A, %get3A_0, %get3A_1, %get3A_2] : memref<1x1x2048x128xf32, #tpu.memory_space<vmem>>, vector<1x1x2048x128xf32>
    %get3A_4 = vector.shape_cast %get3A_3 : vector<1x1x2048x128xf32> to vector<2048x128xf32>
    %transpose3A = tpu.transpose %get3A_4, [1, 0] : vector<2048x128xf32> -> vector<128x2048xf32>
    %get3A_5 = arith.constant 0 : index
    %get3A_6 = arith.constant 0 : index
    %get3A_7 = arith.constant 0 : index
    %get3A_8 = arith.constant 0 : index
    %get3A_9 = vector.load %arg4[%get3A_5, %get3A_6, %get3A_7, %get3A_8] : memref<1x1x1x2048xf32, #tpu.memory_space<vmem>>, vector<1x1x1x2048xf32>
    %get3A_10 = vector.shape_cast %get3A_9 : vector<1x1x1x2048xf32> to vector<1x2048xf32>
    %mul3A = vector.broadcast %get3A_10 : vector<1x2048xf32> to vector<128x2048xf32>
    %mul3A_11 = arith.mulf %mul3A, %transpose3A : vector<128x2048xf32>
    %sub3A = arith.constant 1.000000e+00 : f32
    %sub3A_12 = vector.broadcast %sub3A : f32 to vector<1x2048xf32>
    %sub3A_13 = arith.subf %sub3A_12, %get3A_10 : vector<1x2048xf32>
    %get3A_14 = arith.constant 0 : index
    %get3A_15 = arith.constant 0 : index
    %get3A_16 = arith.constant 0 : index
    %get3A_17 = vector.load %arg3[%get3A_14, %get3A_15, %get3A_16] : memref<1x128x2048xf32, #tpu.memory_space<vmem>>, vector<1x128x2048xf32>
    %get3A_18 = vector.shape_cast %get3A_17 : vector<1x128x2048xf32> to vector<128x2048xf32>
    %mul3A_19 = vector.broadcast %sub3A_13 : vector<1x2048xf32> to vector<128x2048xf32>
    %mul3A_20 = arith.mulf %mul3A_19, %get3A_18 : vector<128x2048xf32>
    %add3A = arith.addf %mul3A_11, %mul3A_20 : vector<128x2048xf32>
    %swap3A = arith.constant 0 : index
    %swap3A_21 = arith.constant 0 : index
    %swap3A_22 = arith.constant 0 : index
    %swap3A_23 = vector.load %arg5[%swap3A, %swap3A_21, %swap3A_22] : memref<1x128x2048xf32, #tpu.memory_space<vmem>>, vector<1x128x2048xf32>
    %swap3A_24 = vector.shape_cast %swap3A_23 : vector<1x128x2048xf32> to vector<128x2048xf32>
    %swap3A_25 = vector.shape_cast %add3A : vector<128x2048xf32> to vector<1x128x2048xf32>
    tpu.vector_store %arg5[%swap3A, %swap3A_21, %swap3A_22], %swap3A_25 {strides = array<i32>} : memref<1x128x2048xf32, #tpu.memory_space<vmem>>, vector<1x128x2048xf32>,
    return
  }
  func.func @transform_0(%arg0: i32, %arg1: i32) -> (i32, i32, i32, i32) {
    %c0_i32 = arith.constant 0 : i32
    %c0_i32_0 = arith.constant 0 : i32
    %c0_i32_1 = arith.constant 0 : i32
    return %arg0, %arg1, %c0_i32, %c0_i32_0 : i32, i32, i32, i32
  }
  func.func @transform_1(%arg0: i32, %arg1: i32) -> (i32, i32, i32) {
    %c0_i32 = arith.constant 0 : i32
    %c0_i32_0 = arith.constant 0 : i32
    return %arg0, %c0_i32, %arg1 : i32, i32, i32
  }
  func.func @transform_2(%arg0: i32, %arg1: i32) -> (i32, i32, i32, i32) {
    %c0_i32 = arith.constant 0 : i32
    %c0_i32_0 = arith.constant 0 : i32
    %c0_i32_1 = arith.constant 0 : i32
    return %arg0, %arg1, %c0_i32, %c0_i32_0 : i32, i32, i32, i32
  }
  func.func @transform_3(%arg0: i32, %arg1: i32) -> (i32, i32, i32) {
    %c0_i32 = arith.constant 0 : i32
    %c0_i32_0 = arith.constant 0 : i32
    return %arg0, %c0_i32, %arg1 : i32, i32, i32
  }
}

</mosaic_0001>

<sc_bundles>
// kernel: kernel.10.cloned.1.call-start
scs
__scs_entry_jumppad:
0x0: {  	(pc) =	sbr.rel $0x88, $3  }
0x1: {  	(tag) =	ssettag $0x0;
	lr =	simm.s32 $0x1  }
0x2: {  	[smem:$0x3F9A] =	sst lr;
	_ =	strace $0xD0000000  }
0x3: {  	_ = 	snop  }
0x4: {  	_ = 	snop  }
0x5: {  	_ = 	snop  }
0x6: {  	_ = 	snop  }
0x7: {  	_ = 	snop  }
__scs_overlays_trampoline_lowered:
0x8: {  	[smem:$0x3FA9] =	sst s0  }
0x9: {  	[smem:$0x3FAA] =	sst s1  }
0xa: {  	[smem:$0x3FAB] =	sst s2  }
0xb: {  	[smem:$0x3FAC] =	sst s3  }
0xc: {  	[smem:$0x3FAD] =	sst s4  }
0xd: {  	[smem:$0x3FAE] =	sst s5  }
0xe: {  	[smem:$0x3FAF] =	sst s6  }
0xf: {  	[smem:$0x3FB0] =	sst s7  }
0x10: {  	[smem:$0x3FB1] =	sst s8  }
0x11: {  	[smem:$0x3FB2] =	sst s9;
	s0 =	simm.s32 @!p0 $0x0  }
0x12: {  	s1 =	sld [smem:$0x3F98];
	s0 =	simm.s32 @p0 $0x1  }
0x13: {  	[smem:$0x3FB3] =	sst s0;
	s0 =	simm.s32 @!p1 $0x0  }
0x14: {  	s2 =	sld [smem:$0x3F97];
	s0 =	simm.s32 @p1 $0x1  }
0x15: {  	[smem:$0x3FB4] =	sst s0;
	s0 =	simm.s32 @!p2 $0x0  }
0x16: {  	s3 =	sld [smem:$0x3FDB];
	s0 =	simm.s32 @p2 $0x1  }
0x17: {  	s4 =	simm.s32 $0x1BF5;
	[smem:$0x3FB6] =	sst s0  }
0x18: {  	s0 =	sld [smem:$0x3F99];
	_ =	swait.ge [sflag:s4], $0x0  }
0x19: {  	s7 =	sld [smem:$0x3F9A]  }
0x1a: {  	s8 =	sadd.s32 $0xFFFFE003, lr  }
0x1b: {  	s9 =	sadd.s32 $0xFFFFFEF7, lr;
	s5 =	simm.s32 $0xFFFFFFFF;
	p2 =	slt.u32 s8, $0xFFFFF086  }
0x1c: {  	p1 =	slt.u32 s9, $0xF7A;
	s5 =	simm.s32 @!p2 $0x0  }
0x1d: {  	s5 =	simm.s32 @p1 $0x1;
	p0 =	seq.s32 s7, s2  }
0x1e: {  	s7 =	smul.u32 @!p0 $0xF7A, s2;
	p2 =	seq.s32 @!p0 s5, $0x0  }
0x1f: {  	s9 =	smul.u32 $0xF7A, s1;
	s8 =	simm.s32 @!p0 $0x1BF5;
	p2 =	por !p2, p0  }
0x20: {  	[sflag:s8] =	ssyncset.s32 @!p0 $0xFFFFF086;
	s6 =	sadd.s32 @!p0 s3, s7;
	s7 =	simm.s32 @!p0 $0x108  }
0x21: {  	s3 =	sadd.s32 s3, s9;
	s6 =	sadd.s32 @!p0 $0x88, s6;
	s7 =	simm.s32 @p2 $0x1082  }
0x22: {  	[simem:s7], [sflag:s8] =	dma.local @!p0 [hbm:s6], $0xF7A  }
0x23: {  	s9 =	sor.u32 $0xD0000000, s2;
	s6 =	simm.s32 $0x108;
	_ =	swait.ge @!p0 [sflag:s8], $0x0  }
0x24: {  	s3 =	sadd.s32 $0x88, s3;
	s6 =	simm.s32 @!p1 $0x1082;
	[sflag:s4] =	ssyncset.s32 $0xFFFFF086  }
0x25: {  	[simem:s6], [sflag:s4] =	dma.local [hbm:s3], $0xF7A  }
0x26: {  	[smem:$0x3F9A] =	sst s1;
	(tag) =	ssettag s2;
	_ =	strace s9  }
0x27: {  	s1 =	sld [smem:$0x3FAA]  }
0x28: {  	s2 =	sld [smem:$0x3FAB]  }
0x29: {  	s4 =	sld [smem:$0x3FAD]  }
0x2a: {  	p0 =	seq.s32 s5, $0x0;
	s5 =	sld [smem:$0x3FAE]  }
0x2b: {  	s6 =	sld [smem:$0x3FAF]  }
0x2c: {  	s7 =	sld [smem:$0x3FB0]  }
0x2d: {  	s3 =	simm.s32 $0x108;
	s8 =	sld [smem:$0x3FB1]  }
0x2e: {  	s3 =	simm.s32 @!p0 $0x1082;
	s9 =	sld [smem:$0x3FB2]  }
0x2f: {  	lr =	sadd.s32 s0, s3;
	s0 =	sld [smem:$0x3FA9]  }
0x30: {  	s3 =	sld [smem:$0x3FAC]  }
0x31: {  	[smem:$0x3FB5] =	sst s10  }
0x32: {  	s10 =	sld [smem:$0x3FB3];
	_ =	sdelay $0x3  }
0x33: {  	p0 =	seq.s32 s10, $0x1;
	s10 =	sld [smem:$0x3FB5];
	_ =	sdelay $0x3  }
0x34: {  	[smem:$0x3FB5] =	sst s10  }
0x35: {  	s10 =	sld [smem:$0x3FB4];
	_ =	sdelay $0x3  }
0x36: {  	p1 =	seq.s32 s10, $0x1;
	s10 =	sld [smem:$0x3FB5];
	_ =	sdelay $0x3  }
0x37: {  	[smem:$0x3FB5] =	sst s10  }
0x38: {  	s10 =	sld [smem:$0x3FB6]  }
0x39: {  	_ = 	snop;
	(pc) =	sbr.ind lr, $3  }
0x3a: {  	_ = 	snop  }
0x3b: {  	_ = 	snop  }
0x3c: {  	p2 =	seq.s32 s10, $0x1;
	s10 =	sld [smem:$0x3FB5]  }
0x3d: {  	_ =	shalt  }
0x3e: {  	_ =	shalt  }
0x3f: {  	_ =	shalt  }
0x40: {  	_ =	shalt  }
0x41: {  	_ =	shalt  }
0x42: {  	_ =	shalt  }
0x43: {  	_ =	shalt  }
0x44: {  	_ =	shalt  }
0x45: {  	_ =	shalt  }
0x46: {  	_ =	shalt  }
0x47: {  	_ =	shalt  }
0x48: {  	_ =	shalt  }
0x49: {  	_ =	shalt  }
0x4a: {  	_ =	shalt  }
0x4b: {  	_ =	shalt  }
0x4c: {  	_ =	shalt  }
0x4d: {  	_ =	shalt  }
0x4e: {  	_ =	shalt  }
0x4f: {  	_ =	shalt  }
0x50: {  	_ =	shalt  }
0x51: {  	_ =	shalt  }
0x52: {  	_ =	shalt  }
0x53: {  	_ =	shalt  }
0x54: {  	_ =	shalt  }
0x55: {  	_ =	shalt  }
0x56: {  	_ =	shalt  }
0x57: {  	_ =	shalt  }
0x58: {  	_ =	shalt  }
0x59: {  	_ =	shalt  }
0x5a: {  	_ =	shalt  }
0x5b: {  	_ =	shalt  }
0x5c: {  	_ =	shalt  }
0x5d: {  	_ =	shalt  }
0x5e: {  	_ =	shalt  }
0x5f: {  	_ =	shalt  }
0x60: {  	_ =	shalt  }
0x61: {  	_ =	shalt  }
0x62: {  	_ =	shalt  }
0x63: {  	_ =	shalt  }
0x64: {  	_ =	shalt  }
0x65: {  	_ =	shalt  }
0x66: {  	_ =	shalt  }
0x67: {  	_ =	shalt  }
0x68: {  	_ =	shalt  }
0x69: {  	_ =	shalt  }
0x6a: {  	_ =	shalt  }
0x6b: {  	_ =	shalt  }
0x6c: {  	_ =	shalt  }
0x6d: {  	_ =	shalt  }
0x6e: {  	_ =	shalt  }
0x6f: {  	_ =	shalt  }
0x70: {  	_ =	shalt  }
0x71: {  	_ =	shalt  }
0x72: {  	_ =	shalt  }
0x73: {  	_ =	shalt  }
0x74: {  	_ =	shalt  }
0x75: {  	_ =	shalt  }
0x76: {  	_ =	shalt  }
0x77: {  	_ =	shalt  }
0x78: {  	_ =	shalt  }
0x79: {  	_ =	shalt  }
0x7a: {  	_ =	shalt  }
0x7b: {  	_ =	shalt  }
0x7c: {  	_ =	shalt  }
0x7d: {  	_ =	shalt  }
0x7e: {  	_ =	shalt  }
0x7f: {  	_ =	shalt  }
0x80: {  	_ =	shalt  }
0x81: {  	_ =	shalt  }
0x82: {  	_ =	shalt  }
0x83: {  	_ =	shalt  }
0x84: {  	_ =	shalt  }
0x85: {  	_ =	shalt  }
0x86: {  	_ =	shalt  }
0x87: {  	_ =	shalt  }
.Lfunc_end0:
.L_simem_size_0:
called_computation.1_lowered:
.L_overlay_start_0:
0x88: {  	s2 =	sld [smem:$0x3FD9]  }
0x89: {  	s3 =	sld [smem:$0x3FFE];
	_ =	sdelay $0x1  }
0x8a: {  	s1 =	srdreg.scid  }
0x8b: {  	s0 =	sand.u32 $0x1, s1  }
0x8c: {  	s17 =	sshll.u32 s0, $0xA;
	s2 =	sadd.s32 s3, s2  }
0x8d: {  	s2 =	sadd.s32 s2, s17  }
0x8e: {  	[smem:$0x3FC1] =	sst s2  }
0x8f: {  	_ = 	snop  }
0x90: {  	s2 =	sld [smem:$0x3FC6];
	(tm) =	ssettm $0x1  }
0x91: {  	s18 =	sld [smem:$0x3FFB];
	_ =	sdelay $0x3  }
0x92: {  	_ =	strace s18  }
0x93: {  	s3 =	sld [smem:$0x3FFC];
	_ =	sdelay $0x3  }
0x94: {  	_ =	strace s3  }
0x95: {  	s3 =	sld [smem:$0x3FFD];
	_ =	sdelay $0x3  }
0x96: {  	_ =	strace s3  }
0x97: {  	_ =	strace $0x8FFFFFFF  }
0x98: {  	s19 =	sld [smem:$0x3FDB];
	_ =	sdelay $0x1  }
0x99: {  	s4 =	simm.s32 $_scs_section_size  }
0x9a: {  	s5 =	simm.s32 $_size__tile_overlayer_lowered;
	s6 =	simm.s32 $_tile_overlayer_lowered  }
0x9b: {  	s22 =	simm.s32 $0x1BFF;
	s21 =	sshll.u32 s6, $0x1;
	s3 =	sadd.s32 s4, s19  }
0x9c: {  	s7 =	simm.s32 $0x0;
	s20 =	sshll.u32 s5, $0x1;
	s5 =	sadd.s32 s21, s3  }
0x9d: {  	[timem:s7], [sflag:s22] =	dma.local [hbm:s5], s20  }
0x9e: {  	_ =	swait.ge [sflag:s22], s20  }
0x9f: {  	s4 =	ssub.s32 $0x0, s20;
	[sflag:s22] =	ssyncset.done $0x0  }
0xa0: {  	[sflag:s22] =	ssyncadd.s32 s4;
	_ =	sdelay $0x1  }
0xa1: {  	s23 =	simm.s32 $0x1B8B  }
0xa2: {  	_ =	swait.ge [sflag:s23], $0x1  }
0xa3: {  	[sflag:s23] =	ssyncset.done $0x0  }
0xa4: {  	s25 =	simm.s32 $0x1B8E;
	s24 =	sld [smem:$0x3FFE];
	[sflag:s23] =	ssyncadd.s32 $0xFFFFFFFF  }
0xa5: {  	s26 =	simm.s32 $execute0_lowered;
	[smem:$0x3FD2] =	sst s25  }
0xa6: {  	s5 =	sshll.u32 s26, $0x1;
	_ =	strace $0x80000046;
	[dreg:$0x1] =	wrdreg $0xFFFFFFFF  }
0xa7: {  	s28 =	simm.s32 $_size_execute0_lowered;
	s3 =	sadd.s32 s3, s5;
	[dreg:$0x0] =	wrdreg $0x0  }
0xa8: {  	s5 =	sshll.u32 s28, $0x1;
	[dreg:$0x2] =	wrdreg s3  }
0xa9: {  	[dreg:$0x3] =	wrdreg s5  }
0xaa: {  	[dreg:$0x4] =	wrdreg $0xC0  }
0xab: {  	_ =	task [dreg:s7], $0x5FFFF  }
0xac: {  	[dreg:$0x1] =	wrdreg $0xFFFFFFFF  }
0xad: {  	[dreg:$0x0] =	wrdreg $0x60  }
0xae: {  	[dreg:$0x2] =	wrdreg s2  }
0xaf: {  	[dreg:$0x3] =	wrdreg s24  }
0xb0: {  	[dreg:$0x4] =	wrdreg $0xA  }
0xb1: {  	_ =	task.clear_ibuf [dreg:s7], $0x5FFFF;
	_ =	strace $0x90000046  }
0xb2: {  	s29 =	simm.s32 $0xA;
	_ =	strace $0x80000048  }
0xb3: {  	_ =	swait.ge [sflag:s29], $0x1  }
0xb4: {  	[sflag:s29] =	ssyncadd.s32 $0xFFFFFFFF  }
0xb5: {  	_ =	strace $0x90000048  }
0xb6: {  	_ =	sfence  }
0xb7: {  	s30 =	sld [smem:$0x0];
	_ =	sdelay $0x2  }
0xb8: {  	s31 =	sshll.u32 s1, $0xD;
	s1 =	sshrl.u32 s1, $0x2  }
0xb9: {  	s3 =	sand.u32 $0x4000, s31;
	s1 =	sadd.s32 s1, s30  }
0xba: {  	s0 =	sor.u32 s3, s0;
	s1 =	sshll.u32 s1, $0x11  }
0xbb: {  	s0 =	sor.u32 s1, s0  }
0xbc: {  	s0 =	sadd.s32 $0x8F2B, s0  }
0xbd: {  	[sflag:s0] =	ssyncadd.remote.s32 $0x1  }
0xbe: {  	_ =	sfence.sel $0xFFFF  }
0xbf: {  	[dreg:$0x0] =	wrdreg $0xFFFFFFFF;
	(pc) =	sbr.abs _section_cstart, $3  }
0xc0: {  	[dreg:$0x1] =	wrdreg $0xFFFFFFFF  }
0xc1: {  	_ =	task.clear_ibuf [dreg:s7], $0x2FFFF;
	_ =	strace $0x9FFFFFFF  }
0xc2: {  	(tm) =	ssettm $0x7FFFFFFF  }
0xc3: {  	_ =	shalt  }
tec
execute0_lowered:
.L_overlay_start_1:
0x0: {  	(tag) =	ssettag $0x1  }
0x1: {  	s1 =	srdreg.scid  }
0x2: {  	s2 =	rddreg [dreg:$0x0];
	s0 =	stileid.u32;
	s22 =	sand.u32 $0x1, s1  }
0x3: {  	s8 =	rddreg [dreg:$0x1];
	s4 =	sshll.u32 s0, $0xC;
	s5 =	sshll.u32 s22, $0xB  }
0x4: {  	s3 =	simm.s32 $0x0;
	s1 =	rddreg [dreg:$0x2];
	s24 =	sor.u32 s5, s4  }
0x5: {  	[smem:$0x7FF] =	sst s3;
	s21 =	sadd.s32 $0x1800, s8;
	s4 =	sshrl.u32 s24, $0x3  }
0x6: {  	_ =	strace $0x80000047;
	s5 =	sadd.s32 s21, s4;
	s4 =	simm.s32 $0x2  }
0x7: {  	[tilespmem:s3], [sflag:$0x2] =	stream.linear.gather [hbm4b:s5+s3], $0x100, $0x38;
	[tilespmem:$0x8100] =	vst v63  }
0x8: {  	_ =	swait.ge [sflag:s4], $0x100  }
0x9: {  	[sflag:s4] =	ssyncset.done $0x0  }
0xa: {  	s6 =	simm.s32 $0x100;
	s7 =	simm.s32 $0x1;
	[sflag:s4] =	ssyncadd.s32 $0xFFFFFF00  }
0xb: {  	[tilespmem:s6], [sflag:$0x1] =	stream.indirect.gather [hbm4b:s2+s6], $0x80, s3, s6, $0xb8;
	[tilespmem:$0x8100] =	vst v63  }
0xc: {  	_ =	swait.ge [sflag:s7], $0x8000  }
0xd: {  	s23 =	sadd.s32 $0x3800, s8;
	s28 =	sshll.u32 s24, $0x4;
	[sflag:s7] =	ssyncset.done $0x0  }
0xe: {  	s8 =	sadd.s32 s23, s28;
	[sflag:s7] =	ssyncadd.s32 $0xFFFF8000  }
0xf: {  	[hbm4b:s8+s3] =	stream.linear.scatter [tilespmem:s6], [sflag:$0x2], $0x8000, $0x38;
	[tilespmem:$0x8100] =	vst v63  }
0x10: {  	s10 =	sor.u32 $0x100, s24;
	_ =	swait.ge [sflag:s4], $0x8000  }
0x11: {  	s9 =	sshrl.u32 s10, $0x3;
	[sflag:s4] =	ssyncset.done $0x0  }
0x12: {  	s9 =	sadd.s32 s21, s9;
	[sflag:s4] =	ssyncadd.s32 $0xFFFF8000  }
0x13: {  	[tilespmem:s3], [sflag:$0x2] =	stream.linear.gather [hbm4b:s9+s3], $0x100, $0x38;
	[tilespmem:$0x8100] =	vst v63  }
0x14: {  	_ =	swait.ge [sflag:s4], $0x100  }
0x15: {  	[sflag:s4] =	ssyncset.done $0x0  }
0x16: {  	[sflag:s4] =	ssyncadd.s32 $0xFFFFFF00  }
0x17: {  	[tilespmem:s6], [sflag:$0x1] =	stream.indirect.gather [hbm4b:s2+s6], $0x80, s3, s6, $0xb8;
	[tilespmem:$0x8100] =	vst v63  }
0x18: {  	_ =	swait.ge [sflag:s7], $0x8000  }
0x19: {  	s10 =	sshll.u32 s10, $0x4;
	[sflag:s7] =	ssyncset.done $0x0  }
0x1a: {  	s10 =	sadd.s32 s23, s10;
	[sflag:s7] =	ssyncadd.s32 $0xFFFF8000  }
0x1b: {  	[hbm4b:s10+s3] =	stream.linear.scatter [tilespmem:s6], [sflag:$0x2], $0x8000, $0x38;
	[tilespmem:$0x8100] =	vst v63  }
0x1c: {  	s12 =	sor.u32 $0x200, s24;
	_ =	swait.ge [sflag:s4], $0x8000  }
0x1d: {  	s11 =	sshrl.u32 s12, $0x3;
	[sflag:s4] =	ssyncset.done $0x0  }
0x1e: {  	s11 =	sadd.s32 s21, s11;
	[sflag:s4] =	ssyncadd.s32 $0xFFFF8000  }
0x1f: {  	[tilespmem:s3], [sflag:$0x2] =	stream.linear.gather [hbm4b:s11+s3], $0x100, $0x38;
	[tilespmem:$0x8100] =	vst v63  }
0x20: {  	_ =	swait.ge [sflag:s4], $0x100  }
0x21: {  	[sflag:s4] =	ssyncset.done $0x0  }
0x22: {  	[sflag:s4] =	ssyncadd.s32 $0xFFFFFF00  }
0x23: {  	[tilespmem:s6], [sflag:$0x1] =	stream.indirect.gather [hbm4b:s2+s6], $0x80, s3, s6, $0xb8;
	[tilespmem:$0x8100] =	vst v63  }
0x24: {  	_ =	swait.ge [sflag:s7], $0x8000  }
0x25: {  	s12 =	sshll.u32 s12, $0x4;
	[sflag:s7] =	ssyncset.done $0x0  }
0x26: {  	s12 =	sadd.s32 s23, s12;
	[sflag:s7] =	ssyncadd.s32 $0xFFFF8000  }
0x27: {  	[hbm4b:s12+s3] =	stream.linear.scatter [tilespmem:s6], [sflag:$0x2], $0x8000, $0x38;
	[tilespmem:$0x8100] =	vst v63  }
0x28: {  	s14 =	sor.u32 $0x300, s24;
	_ =	swait.ge [sflag:s4], $0x8000  }
0x29: {  	s13 =	sshrl.u32 s14, $0x3;
	[sflag:s4] =	ssyncset.done $0x0  }
0x2a: {  	s13 =	sadd.s32 s21, s13;
	[sflag:s4] =	ssyncadd.s32 $0xFFFF8000  }
0x2b: {  	[tilespmem:s3], [sflag:$0x2] =	stream.linear.gather [hbm4b:s13+s3], $0x100, $0x38;
	[tilespmem:$0x8100] =	vst v63  }
0x2c: {  	_ =	swait.ge [sflag:s4], $0x100  }
0x2d: {  	[sflag:s4] =	ssyncset.done $0x0  }
0x2e: {  	[sflag:s4] =	ssyncadd.s32 $0xFFFFFF00  }
0x2f: {  	[tilespmem:s6], [sflag:$0x1] =	stream.indirect.gather [hbm4b:s2+s6], $0x80, s3, s6, $0xb8;
	[tilespmem:$0x8100] =	vst v63  }
0x30: {  	_ =	swait.ge [sflag:s7], $0x8000  }
0x31: {  	s14 =	sshll.u32 s14, $0x4;
	[sflag:s7] =	ssyncset.done $0x0  }
0x32: {  	s14 =	sadd.s32 s23, s14;
	[sflag:s7] =	ssyncadd.s32 $0xFFFF8000  }
0x33: {  	[hbm4b:s14+s3] =	stream.linear.scatter [tilespmem:s6], [sflag:$0x2], $0x8000, $0x38;
	[tilespmem:$0x8100] =	vst v63  }
0x34: {  	s16 =	sor.u32 $0x400, s24;
	_ =	swait.ge [sflag:s4], $0x8000  }
0x35: {  	s15 =	sshrl.u32 s16, $0x3;
	[sflag:s4] =	ssyncset.done $0x0  }
0x36: {  	s15 =	sadd.s32 s21, s15;
	[sflag:s4] =	ssyncadd.s32 $0xFFFF8000  }
0x37: {  	[tilespmem:s3], [sflag:$0x2] =	stream.linear.gather [hbm4b:s15+s3], $0x100, $0x38;
	[tilespmem:$0x8100] =	vst v63  }
0x38: {  	_ =	swait.ge [sflag:s4], $0x100  }
0x39: {  	[sflag:s4] =	ssyncset.done $0x0  }
0x3a: {  	[sflag:s4] =	ssyncadd.s32 $0xFFFFFF00  }
0x3b: {  	[tilespmem:s6], [sflag:$0x1] =	stream.indirect.gather [hbm4b:s2+s6], $0x80, s3, s6, $0xb8;
	[tilespmem:$0x8100] =	vst v63  }
0x3c: {  	_ =	swait.ge [sflag:s7], $0x8000  }
0x3d: {  	s16 =	sshll.u32 s16, $0x4;
	[sflag:s7] =	ssyncset.done $0x0  }
0x3e: {  	s16 =	sadd.s32 s23, s16;
	[sflag:s7] =	ssyncadd.s32 $0xFFFF8000  }
0x3f: {  	[hbm4b:s16+s3] =	stream.linear.scatter [tilespmem:s6], [sflag:$0x2], $0x8000, $0x38;
	[tilespmem:$0x8100] =	vst v63  }
0x40: {  	s18 =	sor.u32 $0x500, s24;
	_ =	swait.ge [sflag:s4], $0x8000  }
0x41: {  	s17 =	sshrl.u32 s18, $0x3;
	[sflag:s4] =	ssyncset.done $0x0  }
0x42: {  	s17 =	sadd.s32 s21, s17;
	[sflag:s4] =	ssyncadd.s32 $0xFFFF8000  }
0x43: {  	[tilespmem:s3], [sflag:$0x2] =	stream.linear.gather [hbm4b:s17+s3], $0x100, $0x38;
	[tilespmem:$0x8100] =	vst v63  }
0x44: {  	_ =	swait.ge [sflag:s4], $0x100  }
0x45: {  	[sflag:s4] =	ssyncset.done $0x0  }
0x46: {  	[sflag:s4] =	ssyncadd.s32 $0xFFFFFF00  }
0x47: {  	[tilespmem:s6], [sflag:$0x1] =	stream.indirect.gather [hbm4b:s2+s6], $0x80, s3, s6, $0xb8;
	[tilespmem:$0x8100] =	vst v63  }
0x48: {  	_ =	swait.ge [sflag:s7], $0x8000  }
0x49: {  	s18 =	sshll.u32 s18, $0x4;
	[sflag:s7] =	ssyncset.done $0x0  }
0x4a: {  	s18 =	sadd.s32 s23, s18;
	[sflag:s7] =	ssyncadd.s32 $0xFFFF8000  }
0x4b: {  	[hbm4b:s18+s3] =	stream.linear.scatter [tilespmem:s6], [sflag:$0x2], $0x8000, $0x38;
	[tilespmem:$0x8100] =	vst v63  }
0x4c: {  	s20 =	sor.u32 $0x600, s24;
	_ =	swait.ge [sflag:s4], $0x8000  }
0x4d: {  	s19 =	sshrl.u32 s20, $0x3;
	[sflag:s4] =	ssyncset.done $0x0  }
0x4e: {  	s19 =	sadd.s32 s21, s19;
	[sflag:s4] =	ssyncadd.s32 $0xFFFF8000  }
0x4f: {  	[tilespmem:s3], [sflag:$0x2] =	stream.linear.gather [hbm4b:s19+s3], $0x100, $0x38;
	[tilespmem:$0x8100] =	vst v63  }
0x50: {  	_ =	swait.ge [sflag:s4], $0x100  }
0x51: {  	[sflag:s4] =	ssyncset.done $0x0  }
0x52: {  	[sflag:s4] =	ssyncadd.s32 $0xFFFFFF00  }
0x53: {  	[tilespmem:s6], [sflag:$0x1] =	stream.indirect.gather [hbm4b:s2+s6], $0x80, s3, s6, $0xb8;
	[tilespmem:$0x8100] =	vst v63  }
0x54: {  	_ =	swait.ge [sflag:s7], $0x8000  }
0x55: {  	s20 =	sshll.u32 s20, $0x4;
	[sflag:s7] =	ssyncset.done $0x0  }
0x56: {  	s20 =	sadd.s32 s23, s20;
	[sflag:s7] =	ssyncadd.s32 $0xFFFF8000  }
0x57: {  	[hbm4b:s20+s3] =	stream.linear.scatter [tilespmem:s6], [sflag:$0x2], $0x8000, $0x38;
	[tilespmem:$0x8100] =	vst v63  }
0x58: {  	s24 =	sor.u32 $0x700, s24;
	_ =	swait.ge [sflag:s4], $0x8000  }
0x59: {  	s25 =	sshrl.u32 s24, $0x3;
	[sflag:s4] =	ssyncset.done $0x0  }
0x5a: {  	s22 =	ssub.s32 $0x2, s22;
	s21 =	sadd.s32 s21, s25;
	[sflag:s4] =	ssyncadd.s32 $0xFFFF8000  }
0x5b: {  	[tilespmem:s3], [sflag:$0x2] =	stream.linear.gather [hbm4b:s21+s3], $0x100, $0x38;
	[tilespmem:$0x8100] =	vst v63  }
0x5c: {  	s29 =	sshrl.u32 s22, $0x1;
	_ =	swait.ge [sflag:s4], $0x100  }
0x5d: {  	s25 =	ssub.s32 s22, s29;
	[sflag:s4] =	ssyncset.done $0x0  }
0x5e: {  	s31 =	smax.u32 s25, $0x1;
	[sflag:s4] =	ssyncadd.s32 $0xFFFFFF00  }
0x5f: {  	[tilespmem:s6], [sflag:$0x1] =	stream.indirect.gather [hbm4b:s2+s6], $0x80, s3, s6, $0xb8;
	[tilespmem:$0x8100] =	vst v63  }
0x60: {  	p0 =	sne.s32 s31, $0x1;
	_ =	swait.ge [sflag:s7], $0x8000  }
.Ltmp0:
0x61: {  	s30 =	sshll.u32 s24, $0x4;
	[sflag:s7] =	ssyncset.done $0x0;
	(pc) =	sbr.rel @!p0 .LBB2_2-.Ltmp0, $4  }
0x62: {  	s22 =	sadd.s32 s23, s30;
	[sflag:s7] =	ssyncadd.s32 $0xFFFF8000  }
0x63: {  	[hbm4b:s22+s3] =	stream.linear.scatter [tilespmem:s6], [sflag:$0x2], $0x8000, $0x38;
	[tilespmem:$0x8100] =	vst v63  }
0x64: {  	_ =	swait.ge [sflag:s4], $0x8000  }
0x65: {  	s23 =	sadd.s32 $0xFFFFFFFF, s31;
	[sflag:s4] =	ssyncset.done $0x0  }
.LBB2_1:
0x66: {  	p0 =	sne.s32 s23, $0x1;
	s23 =	sadd.s32 $0xFFFFFFFF, s23;
	[sflag:s4] =	ssyncadd.s32 $0xFFFF8000  }
0x67: {  	[tilespmem:s3], [sflag:$0x2] =	stream.linear.gather [hbm4b:s5+s3], $0x100, $0x38;
	[tilespmem:$0x8100] =	vst v63  }
0x68: {  	_ =	swait.ge [sflag:s4], $0x100  }
0x69: {  	[sflag:s4] =	ssyncset.done $0x0  }
0x6a: {  	[sflag:s4] =	ssyncadd.s32 $0xFFFFFF00  }
0x6b: {  	[tilespmem:s6], [sflag:$0x1] =	stream.indirect.gather [hbm4b:s2+s6], $0x80, s3, s6, $0xb8;
	[tilespmem:$0x8100] =	vst v63  }
0x6c: {  	_ =	swait.ge [sflag:s7], $0x8000  }
0x6d: {  	[sflag:s7] =	ssyncset.done $0x0  }
0x6e: {  	[sflag:s7] =	ssyncadd.s32 $0xFFFF8000  }
0x6f: {  	[hbm4b:s8+s3] =	stream.linear.scatter [tilespmem:s6], [sflag:$0x2], $0x8000, $0x38;
	[tilespmem:$0x8100] =	vst v63  }
0x70: {  	_ =	swait.ge [sflag:s4], $0x8000  }
0x71: {  	[sflag:s4] =	ssyncset.done $0x0  }
0x72: {  	[sflag:s4] =	ssyncadd.s32 $0xFFFF8000  }
0x73: {  	[tilespmem:s3], [sflag:$0x2] =	stream.linear.gather [hbm4b:s9+s3], $0x100, $0x38;
	[tilespmem:$0x8100] =	vst v63  }
0x74: {  	_ =	swait.ge [sflag:s4], $0x100  }
0x75: {  	[sflag:s4] =	ssyncset.done $0x0  }
0x76: {  	[sflag:s4] =	ssyncadd.s32 $0xFFFFFF00  }
0x77: {  	[tilespmem:s6], [sflag:$0x1] =	stream.indirect.gather [hbm4b:s2+s6], $0x80, s3, s6, $0xb8;
	[tilespmem:$0x8100] =	vst v63  }
0x78: {  	_ =	swait.ge [sflag:s7], $0x8000  }
0x79: {  	[sflag:s7] =	ssyncset.done $0x0  }
0x7a: {  	[sflag:s7] =	ssyncadd.s32 $0xFFFF8000  }
0x7b: {  	[hbm4b:s10+s3] =	stream.linear.scatter [tilespmem:s6], [sflag:$0x2], $0x8000, $0x38;
	[tilespmem:$0x8100] =	vst v63  }
0x7c: {  	_ =	swait.ge [sflag:s4], $0x8000  }
0x7d: {  	[sflag:s4] =	ssyncset.done $0x0  }
0x7e: {  	[sflag:s4] =	ssyncadd.s32 $0xFFFF8000  }
0x7f: {  	[tilespmem:s3], [sflag:$0x2] =	stream.linear.gather [hbm4b:s11+s3], $0x100, $0x38;
	[tilespmem:$0x8100] =	vst v63  }
0x80: {  	_ =	swait.ge [sflag:s4], $0x100  }
0x81: {  	[sflag:s4] =	ssyncset.done $0x0  }
0x82: {  	[sflag:s4] =	ssyncadd.s32 $0xFFFFFF00  }
0x83: {  	[tilespmem:s6], [sflag:$0x1] =	stream.indirect.gather [hbm4b:s2+s6], $0x80, s3, s6, $0xb8;
	[tilespmem:$0x8100] =	vst v63  }
0x84: {  	_ =	swait.ge [sflag:s7], $0x8000  }
0x85: {  	[sflag:s7] =	ssyncset.done $0x0  }
0x86: {  	[sflag:s7] =	ssyncadd.s32 $0xFFFF8000  }
0x87: {  	[hbm4b:s12+s3] =	stream.linear.scatter [tilespmem:s6], [sflag:$0x2], $0x8000, $0x38;
	[tilespmem:$0x8100] =	vst v63  }
0x88: {  	_ =	swait.ge [sflag:s4], $0x8000  }
0x89: {  	[sflag:s4] =	ssyncset.done $0x0  }
0x8a: {  	[sflag:s4] =	ssyncadd.s32 $0xFFFF8000  }
0x8b: {  	[tilespmem:s3], [sflag:$0x2] =	stream.linear.gather [hbm4b:s13+s3], $0x100, $0x38;
	[tilespmem:$0x8100] =	vst v63  }
0x8c: {  	_ =	swait.ge [sflag:s4], $0x100  }
0x8d: {  	[sflag:s4] =	ssyncset.done $0x0  }
0x8e: {  	[sflag:s4] =	ssyncadd.s32 $0xFFFFFF00  }
0x8f: {  	[tilespmem:s6], [sflag:$0x1] =	stream.indirect.gather [hbm4b:s2+s6], $0x80, s3, s6, $0xb8;
	[tilespmem:$0x8100] =	vst v63  }
0x90: {  	_ =	swait.ge [sflag:s7], $0x8000  }
0x91: {  	[sflag:s7] =	ssyncset.done $0x0  }
0x92: {  	[sflag:s7] =	ssyncadd.s32 $0xFFFF8000  }
0x93: {  	[hbm4b:s14+s3] =	stream.linear.scatter [tilespmem:s6], [sflag:$0x2], $0x8000, $0x38;
	[tilespmem:$0x8100] =	vst v63  }
0x94: {  	_ =	swait.ge [sflag:s4], $0x8000  }
0x95: {  	[sflag:s4] =	ssyncset.done $0x0  }
0x96: {  	[sflag:s4] =	ssyncadd.s32 $0xFFFF8000  }
0x97: {  	[tilespmem:s3], [sflag:$0x2] =	stream.linear.gather [hbm4b:s15+s3], $0x100, $0x38;
	[tilespmem:$0x8100] =	vst v63  }
0x98: {  	_ =	swait.ge [sflag:s4], $0x100  }
0x99: {  	[sflag:s4] =	ssyncset.done $0x0  }
0x9a: {  	[sflag:s4] =	ssyncadd.s32 $0xFFFFFF00  }
0x9b: {  	[tilespmem:s6], [sflag:$0x1] =	stream.indirect.gather [hbm4b:s2+s6], $0x80, s3, s6, $0xb8;
	[tilespmem:$0x8100] =	vst v63  }
0x9c: {  	_ =	swait.ge [sflag:s7], $0x8000  }
0x9d: {  	[sflag:s7] =	ssyncset.done $0x0  }
0x9e: {  	[sflag:s7] =	ssyncadd.s32 $0xFFFF8000  }
0x9f: {  	[hbm4b:s16+s3] =	stream.linear.scatter [tilespmem:s6], [sflag:$0x2], $0x8000, $0x38;
	[tilespmem:$0x8100] =	vst v63  }
0xa0: {  	_ =	swait.ge [sflag:s4], $0x8000  }
0xa1: {  	[sflag:s4] =	ssyncset.done $0x0  }
0xa2: {  	[sflag:s4] =	ssyncadd.s32 $0xFFFF8000  }
0xa3: {  	[tilespmem:s3], [sflag:$0x2] =	stream.linear.gather [hbm4b:s17+s3], $0x100, $0x38;
	[tilespmem:$0x8100] =	vst v63  }
0xa4: {  	_ =	swait.ge [sflag:s4], $0x100  }
0xa5: {  	[sflag:s4] =	ssyncset.done $0x0  }
0xa6: {  	[sflag:s4] =	ssyncadd.s32 $0xFFFFFF00  }
0xa7: {  	[tilespmem:s6], [sflag:$0x1] =	stream.indirect.gather [hbm4b:s2+s6], $0x80, s3, s6, $0xb8;
	[tilespmem:$0x8100] =	vst v63  }
0xa8: {  	_ =	swait.ge [sflag:s7], $0x8000  }
0xa9: {  	[sflag:s7] =	ssyncset.done $0x0  }
0xaa: {  	[sflag:s7] =	ssyncadd.s32 $0xFFFF8000  }
0xab: {  	[hbm4b:s18+s3] =	stream.linear.scatter [tilespmem:s6], [sflag:$0x2], $0x8000, $0x38;
	[tilespmem:$0x8100] =	vst v63  }
0xac: {  	_ =	swait.ge [sflag:s4], $0x8000  }
0xad: {  	[sflag:s4] =	ssyncset.done $0x0  }
0xae: {  	[sflag:s4] =	ssyncadd.s32 $0xFFFF8000  }
0xaf: {  	[tilespmem:s3], [sflag:$0x2] =	stream.linear.gather [hbm4b:s19+s3], $0x100, $0x38;
	[tilespmem:$0x8100] =	vst v63  }
0xb0: {  	_ =	swait.ge [sflag:s4], $0x100  }
0xb1: {  	[sflag:s4] =	ssyncset.done $0x0  }
0xb2: {  	[sflag:s4] =	ssyncadd.s32 $0xFFFFFF00  }
0xb3: {  	[tilespmem:s6], [sflag:$0x1] =	stream.indirect.gather [hbm4b:s2+s6], $0x80, s3, s6, $0xb8;
	[tilespmem:$0x8100] =	vst v63  }
0xb4: {  	_ =	swait.ge [sflag:s7], $0x8000  }
0xb5: {  	[sflag:s7] =	ssyncset.done $0x0  }
0xb6: {  	[sflag:s7] =	ssyncadd.s32 $0xFFFF8000  }
0xb7: {  	[hbm4b:s20+s3] =	stream.linear.scatter [tilespmem:s6], [sflag:$0x2], $0x8000, $0x38;
	[tilespmem:$0x8100] =	vst v63  }
0xb8: {  	_ =	swait.ge [sflag:s4], $0x8000  }
0xb9: {  	[sflag:s4] =	ssyncset.done $0x0  }
0xba: {  	[sflag:s4] =	ssyncadd.s32 $0xFFFF8000  }
0xbb: {  	[tilespmem:s3], [sflag:$0x2] =	stream.linear.gather [hbm4b:s21+s3], $0x100, $0x38;
	[tilespmem:$0x8100] =	vst v63  }
0xbc: {  	_ =	swait.ge [sflag:s4], $0x100  }
0xbd: {  	[sflag:s4] =	ssyncset.done $0x0  }
0xbe: {  	[sflag:s4] =	ssyncadd.s32 $0xFFFFFF00  }
0xbf: {  	[tilespmem:s6], [sflag:$0x1] =	stream.indirect.gather [hbm4b:s2+s6], $0x80, s3, s6, $0xb8;
	[tilespmem:$0x8100] =	vst v63  }
0xc0: {  	_ =	swait.ge [sflag:s7], $0x8000  }
.Ltmp1:
0xc1: {  	[sflag:s7] =	ssyncset.done $0x0;
	(pc) =	sbr.rel @p0 .LBB2_1-.Ltmp1, $4  }
0xc2: {  	[sflag:s7] =	ssyncadd.s32 $0xFFFF8000  }
0xc3: {  	[hbm4b:s22+s3] =	stream.linear.scatter [tilespmem:s6], [sflag:$0x2], $0x8000, $0x38;
	[tilespmem:$0x8100] =	vst v63  }
0xc4: {  	_ =	swait.ge [sflag:s4], $0x8000  }
0xc5: {  	[sflag:s4] =	ssyncset.done $0x0  }
.LBB2_2:
0xc6: {  	[sflag:s4] =	ssyncadd.s32 $0xFFFF8000  }
0xc7: {  	_ =	sfence.sel $0x180000  }
0xc8: {  	[bflag:$0x0] =	sbarrier.arrive $0xFFFF  }
0xc9: {  	p0 =	sne.s32 s0, $0x0;
	_ =	strace $0x90000047  }
0xca: {  	s0 =	sadd.s32 @!p0 $0x100000, s1;
	[bflag:$0x2] =	sbarrier.arrive $0xFFFF  }
0xcb: {  	[sflag:s0] =	ssyncadd.tile.s32 @!p0 $0x1;
	_ =	shalt  }
.Lfunc_end2:
_tile_overlayer_lowered:
.L_overlay_start_2:
0xcc: {  	(tag) =	ssettag $0x2  }
0xcd: {  	s0 =	rddreg [dreg:$0x0];
	s2 =	stileid.u32  }
0xce: {  	s1 =	rddreg [dreg:$0x1];
	p0 =	sne.s32 s2, $0x0  }
0xcf: {  	s3 =	rddreg [dreg:$0x2];
	[bflag:$0x3] =	sbarrier.arrive $0xFFFF;
	s2 =	simm.s32 @!p0 $0x1C02  }
0xd0: {  	[timem:s3], [sflag:s2] =	dma.local @!p0 [hbm:s0], s1  }
0xd1: {  	s0 =	simm.s32 @!p0 $0x2  }
0xd2: {  	_ =	swait.ge @!p0 [sflag:s0], s1  }
0xd3: {  	s1 =	ssub.s32 @!p0 $0x0, s1;
	[sflag:s0] =	ssyncset.done @!p0 $0x0  }
0xd4: {  	[sflag:s0] =	ssyncadd.s32 @!p0 s1  }
0xd5: {  	[bflag:$0x3] =	sbarrier.arrive $0xFFFF  }
0xd6: {  	_ =	shalt  }

// kernel: kernel.13.cloned.1.call-start
scs
__scs_entry_jumppad:
0x0: {  	(pc) =	sbr.rel $0x88, $3  }
0x1: {  	(tag) =	ssettag $0x0;
	lr =	simm.s32 $0x1  }
0x2: {  	[smem:$0x3F9A] =	sst lr;
	_ =	strace $0xD0000000  }
0x3: {  	_ = 	snop  }
0x4: {  	_ = 	snop  }
0x5: {  	_ = 	snop  }
0x6: {  	_ = 	snop  }
0x7: {  	_ = 	snop  }
__scs_overlays_trampoline_lowered:
0x8: {  	[smem:$0x3FA9] =	sst s0  }
0x9: {  	[smem:$0x3FAA] =	sst s1  }
0xa: {  	[smem:$0x3FAB] =	sst s2  }
0xb: {  	[smem:$0x3FAC] =	sst s3  }
0xc: {  	[smem:$0x3FAD] =	sst s4  }
0xd: {  	[smem:$0x3FAE] =	sst s5  }
0xe: {  	[smem:$0x3FAF] =	sst s6  }
0xf: {  	[smem:$0x3FB0] =	sst s7  }
0x10: {  	[smem:$0x3FB1] =	sst s8  }
0x11: {  	[smem:$0x3FB2] =	sst s9;
	s0 =	simm.s32 @!p0 $0x0  }
0x12: {  	s1 =	sld [smem:$0x3F98];
	s0 =	simm.s32 @p0 $0x1  }
0x13: {  	[smem:$0x3FB3] =	sst s0;
	s0 =	simm.s32 @!p1 $0x0  }
0x14: {  	s2 =	sld [smem:$0x3F97];
	s0 =	simm.s32 @p1 $0x1  }
0x15: {  	[smem:$0x3FB4] =	sst s0;
	s0 =	simm.s32 @!p2 $0x0  }
0x16: {  	s3 =	sld [smem:$0x3FDB];
	s0 =	simm.s32 @p2 $0x1  }
0x17: {  	s4 =	simm.s32 $0x1BF5;
	[smem:$0x3FB6] =	sst s0  }
0x18: {  	s0 =	sld [smem:$0x3F99];
	_ =	swait.ge [sflag:s4], $0x0  }
0x19: {  	s7 =	sld [smem:$0x3F9A]  }
0x1a: {  	s8 =	sadd.s32 $0xFFFFE003, lr  }
0x1b: {  	s9 =	sadd.s32 $0xFFFFFEF7, lr;
	s5 =	simm.s32 $0xFFFFFFFF;
	p2 =	slt.u32 s8, $0xFFFFF086  }
0x1c: {  	p1 =	slt.u32 s9, $0xF7A;
	s5 =	simm.s32 @!p2 $0x0  }
0x1d: {  	s5 =	simm.s32 @p1 $0x1;
	p0 =	seq.s32 s7, s2  }
0x1e: {  	s7 =	smul.u32 @!p0 $0xF7A, s2;
	p2 =	seq.s32 @!p0 s5, $0x0  }
0x1f: {  	s9 =	smul.u32 $0xF7A, s1;
	s8 =	simm.s32 @!p0 $0x1BF5;
	p2 =	por !p2, p0  }
0x20: {  	[sflag:s8] =	ssyncset.s32 @!p0 $0xFFFFF086;
	s6 =	sadd.s32 @!p0 s3, s7;
	s7 =	simm.s32 @!p0 $0x108  }
0x21: {  	s3 =	sadd.s32 s3, s9;
	s6 =	sadd.s32 @!p0 $0x88, s6;
	s7 =	simm.s32 @p2 $0x1082  }
0x22: {  	[simem:s7], [sflag:s8] =	dma.local @!p0 [hbm:s6], $0xF7A  }
0x23: {  	s9 =	sor.u32 $0xD0000000, s2;
	s6 =	simm.s32 $0x108;
	_ =	swait.ge @!p0 [sflag:s8], $0x0  }
0x24: {  	s3 =	sadd.s32 $0x88, s3;
	s6 =	simm.s32 @!p1 $0x1082;
	[sflag:s4] =	ssyncset.s32 $0xFFFFF086  }
0x25: {  	[simem:s6], [sflag:s4] =	dma.local [hbm:s3], $0xF7A  }
0x26: {  	[smem:$0x3F9A] =	sst s1;
	(tag) =	ssettag s2;
	_ =	strace s9  }
0x27: {  	s1 =	sld [smem:$0x3FAA]  }
0x28: {  	s2 =	sld [smem:$0x3FAB]  }
0x29: {  	s4 =	sld [smem:$0x3FAD]  }
0x2a: {  	p0 =	seq.s32 s5, $0x0;
	s5 =	sld [smem:$0x3FAE]  }
0x2b: {  	s6 =	sld [smem:$0x3FAF]  }
0x2c: {  	s7 =	sld [smem:$0x3FB0]  }
0x2d: {  	s3 =	simm.s32 $0x108;
	s8 =	sld [smem:$0x3FB1]  }
0x2e: {  	s3 =	simm.s32 @!p0 $0x1082;
	s9 =	sld [smem:$0x3FB2]  }
0x2f: {  	lr =	sadd.s32 s0, s3;
	s0 =	sld [smem:$0x3FA9]  }
0x30: {  	s3 =	sld [smem:$0x3FAC]  }
0x31: {  	[smem:$0x3FB5] =	sst s10  }
0x32: {  	s10 =	sld [smem:$0x3FB3];
	_ =	sdelay $0x3  }
0x33: {  	p0 =	seq.s32 s10, $0x1;
	s10 =	sld [smem:$0x3FB5];
	_ =	sdelay $0x3  }
0x34: {  	[smem:$0x3FB5] =	sst s10  }
0x35: {  	s10 =	sld [smem:$0x3FB4];
	_ =	sdelay $0x3  }
0x36: {  	p1 =	seq.s32 s10, $0x1;
	s10 =	sld [smem:$0x3FB5];
	_ =	sdelay $0x3  }
0x37: {  	[smem:$0x3FB5] =	sst s10  }
0x38: {  	s10 =	sld [smem:$0x3FB6]  }
0x39: {  	_ = 	snop;
	(pc) =	sbr.ind lr, $3  }
0x3a: {  	_ = 	snop  }
0x3b: {  	_ = 	snop  }
0x3c: {  	p2 =	seq.s32 s10, $0x1;
	s10 =	sld [smem:$0x3FB5]  }
0x3d: {  	_ =	shalt  }
0x3e: {  	_ =	shalt  }
0x3f: {  	_ =	shalt  }
0x40: {  	_ =	shalt  }
0x41: {  	_ =	shalt  }
0x42: {  	_ =	shalt  }
0x43: {  	_ =	shalt  }
0x44: {  	_ =	shalt  }
0x45: {  	_ =	shalt  }
0x46: {  	_ =	shalt  }
0x47: {  	_ =	shalt  }
0x48: {  	_ =	shalt  }
0x49: {  	_ =	shalt  }
0x4a: {  	_ =	shalt  }
0x4b: {  	_ =	shalt  }
0x4c: {  	_ =	shalt  }
0x4d: {  	_ =	shalt  }
0x4e: {  	_ =	shalt  }
0x4f: {  	_ =	shalt  }
0x50: {  	_ =	shalt  }
0x51: {  	_ =	shalt  }
0x52: {  	_ =	shalt  }
0x53: {  	_ =	shalt  }
0x54: {  	_ =	shalt  }
0x55: {  	_ =	shalt  }
0x56: {  	_ =	shalt  }
0x57: {  	_ =	shalt  }
0x58: {  	_ =	shalt  }
0x59: {  	_ =	shalt  }
0x5a: {  	_ =	shalt  }
0x5b: {  	_ =	shalt  }
0x5c: {  	_ =	shalt  }
0x5d: {  	_ =	shalt  }
0x5e: {  	_ =	shalt  }
0x5f: {  	_ =	shalt  }
0x60: {  	_ =	shalt  }
0x61: {  	_ =	shalt  }
0x62: {  	_ =	shalt  }
0x63: {  	_ =	shalt  }
0x64: {  	_ =	shalt  }
0x65: {  	_ =	shalt  }
0x66: {  	_ =	shalt  }
0x67: {  	_ =	shalt  }
0x68: {  	_ =	shalt  }
0x69: {  	_ =	shalt  }
0x6a: {  	_ =	shalt  }
0x6b: {  	_ =	shalt  }
0x6c: {  	_ =	shalt  }
0x6d: {  	_ =	shalt  }
0x6e: {  	_ =	shalt  }
0x6f: {  	_ =	shalt  }
0x70: {  	_ =	shalt  }
0x71: {  	_ =	shalt  }
0x72: {  	_ =	shalt  }
0x73: {  	_ =	shalt  }
0x74: {  	_ =	shalt  }
0x75: {  	_ =	shalt  }
0x76: {  	_ =	shalt  }
0x77: {  	_ =	shalt  }
0x78: {  	_ =	shalt  }
0x79: {  	_ =	shalt  }
0x7a: {  	_ =	shalt  }
0x7b: {  	_ =	shalt  }
0x7c: {  	_ =	shalt  }
0x7d: {  	_ =	shalt  }
0x7e: {  	_ =	shalt  }
0x7f: {  	_ =	shalt  }
0x80: {  	_ =	shalt  }
0x81: {  	_ =	shalt  }
0x82: {  	_ =	shalt  }
0x83: {  	_ =	shalt  }
0x84: {  	_ =	shalt  }
0x85: {  	_ =	shalt  }
0x86: {  	_ =	shalt  }
0x87: {  	_ =	shalt  }
.Lfunc_end0:
.L_simem_size_0:
called_computation.2_lowered:
.L_overlay_start_0:
0x88: {  	s2 =	sld [smem:$0x3FD9]  }
0x89: {  	s3 =	sld [smem:$0x3FFE];
	_ =	sdelay $0x1  }
0x8a: {  	s1 =	srdreg.scid  }
0x8b: {  	s0 =	sand.u32 $0x1, s1  }
0x8c: {  	s17 =	sshll.u32 s0, $0xA;
	s2 =	sadd.s32 s3, s2  }
0x8d: {  	s2 =	sadd.s32 s2, s17  }
0x8e: {  	[smem:$0x3FC1] =	sst s2  }
0x8f: {  	_ = 	snop  }
0x90: {  	s18 =	sld [smem:$0x3FC5];
	(tm) =	ssettm $0x1  }
0x91: {  	s19 =	sld [smem:$0x3FFB];
	_ =	sdelay $0x3  }
0x92: {  	_ =	strace s19  }
0x93: {  	s2 =	sld [smem:$0x3FFC];
	_ =	sdelay $0x3  }
0x94: {  	_ =	strace s2  }
0x95: {  	s2 =	sld [smem:$0x3FFD];
	_ =	sdelay $0x3  }
0x96: {  	_ =	strace s2  }
0x97: {  	_ =	strace $0x8FFFFFFF  }
0x98: {  	s20 =	sld [smem:$0x3FDB];
	_ =	sdelay $0x1  }
0x99: {  	s4 =	simm.s32 $_scs_section_size  }
0x9a: {  	s5 =	simm.s32 $_size__tile_overlayer_lowered;
	s6 =	simm.s32 $_tile_overlayer_lowered  }
0x9b: {  	s7 =	simm.s32 $0x1BFF;
	s21 =	sshll.u32 s6, $0x1;
	s4 =	sadd.s32 s4, s20  }
0x9c: {  	s22 =	simm.s32 $0x0;
	s5 =	sshll.u32 s5, $0x1;
	s6 =	sadd.s32 s21, s4  }
0x9d: {  	[timem:s22], [sflag:s7] =	dma.local [hbm:s6], s5  }
0x9e: {  	_ =	swait.ge [sflag:s7], s5  }
0x9f: {  	s5 =	ssub.s32 $0x0, s5;
	[sflag:s7] =	ssyncset.done $0x0  }
0xa0: {  	[sflag:s7] =	ssyncadd.s32 s5;
	_ =	sdelay $0x1  }
0xa1: {  	s23 =	simm.s32 $0x1B8B  }
0xa2: {  	_ =	swait.ge [sflag:s23], $0x1  }
0xa3: {  	[sflag:s23] =	ssyncset.done $0x0  }
0xa4: {  	[sflag:s23] =	ssyncadd.s32 $0xFFFFFFFF  }
0xa5: {  	s5 =	sld [smem:$0x0]  }
0xa6: {  	s6 =	sand.u32 $0xFFFFFFFE, s1  }
0xa7: {  	p0 =	sne.s32 s1, s6  }
0xa8: {  	s6 =	sshll.u32 @p0 s6, $0xE  }
0xa9: {  	s6 =	sadd.s32 @p0 $0x11B8D, s6;
	s7 =	sshll.u32 @p0 s5, $0x11  }
0xaa: {  	s6 =	sor.u32 @p0 s7, s6  }
0xab: {  	[sflag:s6] =	ssyncadd.remote.s32 @p0 $0x1;
	_ =	sdelay $0x1  }
0xac: {  	s6 =	simm.s32 @p0 $0x1B8D  }
0xad: {  	_ =	swait.eq @p0 [sflag:s6], $0x1  }
0xae: {  	[sflag:s6] =	ssyncadd.s32 @p0 $0xFFFFFFFF  }
0xaf: {  	s7 =	sshll.u32 @!p0 s1, $0xE  }
0xb0: {  	s7 =	sor.u32 @!p0 $0x4000, s7;
	s6 =	simm.s32 @!p0 $0x1B8D  }
0xb1: {  	s5 =	sshll.u32 @!p0 s5, $0x11;
	s7 =	sadd.s32 @!p0 $0x11B8D, s7;
	_ =	swait.eq @!p0 [sflag:s6], $0x1  }
0xb2: {  	s5 =	sor.u32 @!p0 s5, s7;
	[sflag:s6] =	ssyncadd.s32 @!p0 $0xFFFFFFFF  }
0xb3: {  	s25 =	simm.s32 $0x1B8E;
	s24 =	sld [smem:$0x3FFE];
	[sflag:s5] =	ssyncadd.remote.s32 @!p0 $0x1  }
0xb4: {  	s26 =	simm.s32 $execute0_lowered;
	[smem:$0x3FD2] =	sst s25  }
0xb5: {  	s6 =	sshll.u32 s26, $0x1;
	_ =	strace $0x80000049;
	[dreg:$0x1] =	wrdreg $0xFFFFFFFF  }
0xb6: {  	s28 =	simm.s32 $_size_execute0_lowered;
	s4 =	sadd.s32 s4, s6;
	[dreg:$0x0] =	wrdreg $0x0  }
0xb7: {  	s6 =	sshll.u32 s28, $0x1;
	[dreg:$0x2] =	wrdreg s4  }
0xb8: {  	[dreg:$0x3] =	wrdreg s6  }
0xb9: {  	[dreg:$0x4] =	wrdreg $0xC0  }
0xba: {  	_ =	task [dreg:s22], $0x5FFFF  }
0xbb: {  	[dreg:$0x1] =	wrdreg $0xFFFFFFFF  }
0xbc: {  	[dreg:$0x0] =	wrdreg $0x60  }
0xbd: {  	[dreg:$0x2] =	wrdreg s18  }
0xbe: {  	[dreg:$0x3] =	wrdreg s24  }
0xbf: {  	[dreg:$0x4] =	wrdreg $0x9  }
0xc0: {  	_ =	task.clear_ibuf [dreg:s22], $0x5FFFF;
	_ =	strace $0x90000049  }
0xc1: {  	s29 =	simm.s32 $0x9;
	_ =	strace $0x8000004B  }
0xc2: {  	_ =	swait.ge [sflag:s29], $0x1  }
0xc3: {  	[sflag:s29] =	ssyncadd.s32 $0xFFFFFFFF  }
0xc4: {  	_ =	strace $0x9000004B  }
0xc5: {  	_ =	sfence  }
0xc6: {  	s30 =	sld [smem:$0x0];
	_ =	sdelay $0x2  }
0xc7: {  	s31 =	sshll.u32 s1, $0xD;
	s1 =	sshrl.u32 s1, $0x2  }
0xc8: {  	s4 =	sand.u32 $0x4000, s31;
	s1 =	sadd.s32 s1, s30  }
0xc9: {  	s0 =	sor.u32 s4, s0;
	s1 =	sshll.u32 s1, $0x11  }
0xca: {  	s0 =	sor.u32 s1, s0  }
0xcb: {  	s0 =	sadd.s32 $0x8F2B, s0  }
0xcc: {  	[sflag:s0] =	ssyncadd.remote.s32 $0x1  }
0xcd: {  	_ =	sfence.sel $0xFFFF  }
0xce: {  	[dreg:$0x0] =	wrdreg $0xFFFFFFFF;
	(pc) =	sbr.abs _section_cstart, $3  }
0xcf: {  	[dreg:$0x1] =	wrdreg $0xFFFFFFFF  }
0xd0: {  	_ =	task.clear_ibuf [dreg:s22], $0x2FFFF;
	_ =	strace $0x9FFFFFFF  }
0xd1: {  	(tm) =	ssettm $0x7FFFFFFF  }
tec
execute0_lowered:
.L_overlay_start_1:
0x0: {  	(tag) =	ssettag $0x1  }
0x1: {  	s1 =	srdreg.scid  }
0x2: {  	s2 =	rddreg [dreg:$0x0];
	s0 =	stileid.u32;
	s10 =	sand.u32 $0x1, s1  }
0x3: {  	s8 =	rddreg [dreg:$0x1];
	s4 =	sshll.u32 s0, $0xA;
	s5 =	sshll.u32 s10, $0x9  }
0x4: {  	s3 =	simm.s32 $0x0;
	s1 =	rddreg [dreg:$0x2];
	s9 =	sor.u32 s5, s4  }
0x5: {  	[smem:$0x7FF] =	sst s3;
	s11 =	sadd.s32 $0x103800, s8;
	s4 =	sshrl.u32 s9, $0x3  }
0x6: {  	_ =	strace $0x8000004A;
	s5 =	sadd.s32 s11, s4;
	s4 =	simm.s32 $0x2  }
0x7: {  	[tilespmem:s3], [sflag:$0x2] =	stream.linear.gather [hbm4b:s5+s3], $0x100, $0x38;
	[tilespmem:$0x8100] =	vst v63  }
0x8: {  	_ =	swait.ge [sflag:s4], $0x100  }
0x9: {  	[sflag:s4] =	ssyncset.done $0x0  }
0xa: {  	s6 =	simm.s32 $0x100;
	s7 =	simm.s32 $0x1;
	[sflag:s4] =	ssyncadd.s32 $0xFFFFFF00  }
0xb: {  	[tilespmem:s6], [sflag:$0x1] =	stream.indirect.gather [hbm4b:s2+s6], $0x80, s3, s6, $0xb8;
	[tilespmem:$0x8100] =	vst v63  }
0xc: {  	_ =	swait.ge [sflag:s7], $0x8000  }
0xd: {  	s12 =	sadd.s32 $0x104000, s8;
	s29 =	sshll.u32 s9, $0x4;
	[sflag:s7] =	ssyncset.done $0x0  }
0xe: {  	s8 =	sadd.s32 s12, s29;
	[sflag:s7] =	ssyncadd.s32 $0xFFFF8000  }
0xf: {  	[hbm4b:s8+s3] =	stream.linear.scatter [tilespmem:s6], [sflag:$0x2], $0x8000, $0x38;
	[tilespmem:$0x8100] =	vst v63  }
0x10: {  	s13 =	sor.u32 $0x100, s9;
	_ =	swait.ge [sflag:s4], $0x8000  }
0x11: {  	s9 =	sshrl.u32 s13, $0x3;
	[sflag:s4] =	ssyncset.done $0x0  }
0x12: {  	s10 =	ssub.s32 $0x2, s10;
	s9 =	sadd.s32 s11, s9;
	[sflag:s4] =	ssyncadd.s32 $0xFFFF8000  }
0x13: {  	[tilespmem:s3], [sflag:$0x2] =	stream.linear.gather [hbm4b:s9+s3], $0x100, $0x38;
	[tilespmem:$0x8100] =	vst v63  }
0x14: {  	s30 =	sshrl.u32 s10, $0x1;
	_ =	swait.ge [sflag:s4], $0x100  }
0x15: {  	s11 =	ssub.s32 s10, s30;
	[sflag:s4] =	ssyncset.done $0x0  }
0x16: {  	s11 =	smax.u32 s11, $0x1;
	[sflag:s4] =	ssyncadd.s32 $0xFFFFFF00  }
0x17: {  	[tilespmem:s6], [sflag:$0x1] =	stream.indirect.gather [hbm4b:s2+s6], $0x80, s3, s6, $0xb8;
	[tilespmem:$0x8100] =	vst v63  }
0x18: {  	p0 =	sne.s32 s11, $0x1;
	_ =	swait.ge [sflag:s7], $0x8000  }
.Ltmp0:
0x19: {  	s31 =	sshll.u32 s13, $0x4;
	[sflag:s7] =	ssyncset.done $0x0;
	(pc) =	sbr.rel @!p0 .LBB2_2-.Ltmp0, $4  }
0x1a: {  	s10 =	sadd.s32 s12, s31;
	[sflag:s7] =	ssyncadd.s32 $0xFFFF8000  }
0x1b: {  	[hbm4b:s10+s3] =	stream.linear.scatter [tilespmem:s6], [sflag:$0x2], $0x8000, $0x38;
	[tilespmem:$0x8100] =	vst v63  }
0x1c: {  	_ =	swait.ge [sflag:s4], $0x8000  }
0x1d: {  	s11 =	sadd.s32 $0xFFFFFFFF, s11;
	[sflag:s4] =	ssyncset.done $0x0  }
.LBB2_1:
0x1e: {  	p0 =	sne.s32 s11, $0x1;
	s11 =	sadd.s32 $0xFFFFFFFF, s11;
	[sflag:s4] =	ssyncadd.s32 $0xFFFF8000  }
0x1f: {  	[tilespmem:s3], [sflag:$0x2] =	stream.linear.gather [hbm4b:s5+s3], $0x100, $0x38;
	[tilespmem:$0x8100] =	vst v63  }
0x20: {  	_ =	swait.ge [sflag:s4], $0x100  }
0x21: {  	[sflag:s4] =	ssyncset.done $0x0  }
0x22: {  	[sflag:s4] =	ssyncadd.s32 $0xFFFFFF00  }
0x23: {  	[tilespmem:s6], [sflag:$0x1] =	stream.indirect.gather [hbm4b:s2+s6], $0x80, s3, s6, $0xb8;
	[tilespmem:$0x8100] =	vst v63  }
0x24: {  	_ =	swait.ge [sflag:s7], $0x8000  }
0x25: {  	[sflag:s7] =	ssyncset.done $0x0  }
0x26: {  	[sflag:s7] =	ssyncadd.s32 $0xFFFF8000  }
0x27: {  	[hbm4b:s8+s3] =	stream.linear.scatter [tilespmem:s6], [sflag:$0x2], $0x8000, $0x38;
	[tilespmem:$0x8100] =	vst v63  }
0x28: {  	_ =	swait.ge [sflag:s4], $0x8000  }
0x29: {  	[sflag:s4] =	ssyncset.done $0x0  }
0x2a: {  	[sflag:s4] =	ssyncadd.s32 $0xFFFF8000  }
0x2b: {  	[tilespmem:s3], [sflag:$0x2] =	stream.linear.gather [hbm4b:s9+s3], $0x100, $0x38;
	[tilespmem:$0x8100] =	vst v63  }
0x2c: {  	_ =	swait.ge [sflag:s4], $0x100  }
0x2d: {  	[sflag:s4] =	ssyncset.done $0x0  }
0x2e: {  	[sflag:s4] =	ssyncadd.s32 $0xFFFFFF00  }
0x2f: {  	[tilespmem:s6], [sflag:$0x1] =	stream.indirect.gather [hbm4b:s2+s6], $0x80, s3, s6, $0xb8;
	[tilespmem:$0x8100] =	vst v63  }
0x30: {  	_ =	swait.ge [sflag:s7], $0x8000  }
.Ltmp1:
0x31: {  	[sflag:s7] =	ssyncset.done $0x0;
	(pc) =	sbr.rel @p0 .LBB2_1-.Ltmp1, $4  }
0x32: {  	[sflag:s7] =	ssyncadd.s32 $0xFFFF8000  }
0x33: {  	[hbm4b:s10+s3] =	stream.linear.scatter [tilespmem:s6], [sflag:$0x2], $0x8000, $0x38;
	[tilespmem:$0x8100] =	vst v63  }
0x34: {  	_ =	swait.ge [sflag:s4], $0x8000  }
0x35: {  	[sflag:s4] =	ssyncset.done $0x0  }
.LBB2_2:
0x36: {  	[sflag:s4] =	ssyncadd.s32 $0xFFFF8000  }
0x37: {  	_ =	sfence.sel $0x180000  }
0x38: {  	[bflag:$0x0] =	sbarrier.arrive $0xFFFF  }
0x39: {  	p0 =	sne.s32 s0, $0x0;
	_ =	strace $0x9000004A  }
0x3a: {  	s0 =	sadd.s32 @!p0 $0x100000, s1;
	[bflag:$0x2] =	sbarrier.arrive $0xFFFF  }
0x3b: {  	[sflag:s0] =	ssyncadd.tile.s32 @!p0 $0x1;
	_ =	shalt  }
.Lfunc_end2:
_tile_overlayer_lowered:
.L_overlay_start_2:
0x3c: {  	(tag) =	ssettag $0x2  }
0x3d: {  	s0 =	rddreg [dreg:$0x0];
	s2 =	stileid.u32  }
0x3e: {  	s1 =	rddreg [dreg:$0x1];
	p0 =	sne.s32 s2, $0x0  }
0x3f: {  	s3 =	rddreg [dreg:$0x2];
	[bflag:$0x3] =	sbarrier.arrive $0xFFFF;
	s2 =	simm.s32 @!p0 $0x1C02  }
0x40: {  	[timem:s3], [sflag:s2] =	dma.local @!p0 [hbm:s0], s1  }
0x41: {  	s0 =	simm.s32 @!p0 $0x2  }
0x42: {  	_ =	swait.ge @!p0 [sflag:s0], s1  }
0x43: {  	s1 =	ssub.s32 @!p0 $0x0, s1;
	[sflag:s0] =	ssyncset.done @!p0 $0x0  }
0x44: {  	[sflag:s0] =	ssyncadd.s32 @!p0 s1  }
0x45: {  	[bflag:$0x3] =	sbarrier.arrive $0xFFFF  }
0x46: {  	_ =	shalt  }

// kernel: sparse-core-data-format-call.cloned.1.call-start
scs
called_computation_lowered:
.L_overlay_start_0:
0x0: {  	s2 =	sld [smem:$0x3FD9]  }
0x1: {  	s3 =	sld [smem:$0x3FFE];
	_ =	sdelay $0x1  }
0x2: {  	s1 =	srdreg.scid  }
0x3: {  	s0 =	sand.u32 $0x1, s1  }
0x4: {  	s16 =	sshll.u32 s0, $0xA;
	s2 =	sadd.s32 s3, s2  }
0x5: {  	s2 =	sadd.s32 s2, s16  }
0x6: {  	[smem:$0x3FC1] =	sst s2  }
0x7: {  	_ = 	snop  }
0x8: {  	s2 =	sld [smem:$0x3FD0];
	_ =	sdelay $0x2  }
0x9: {  	s17 =	simm.s32 $0xB;
	s4 =	simm.s32 $0x10  }
0xa: {  	[smem:s4], [sflag:s17] =	dma.local [hbm:s2], $0x1  }
0xb: {  	_ =	swait.eq [sflag:s17], $0x1  }
0xc: {  	[sflag:s17] =	ssyncset.done $0x0  }
0xd: {  	[sflag:s17] =	ssyncadd.s32 $0xFFFFFFFF  }
0xe: {  	s18 =	sld [smem:$0x10];
	(tm) =	ssettm $0x1  }
0xf: {  	s19 =	sld [smem:$0x3FFB];
	_ =	sdelay $0x3  }
0x10: {  	_ =	strace s19  }
0x11: {  	s2 =	sld [smem:$0x3FFC];
	_ =	sdelay $0x3  }
0x12: {  	_ =	strace s2  }
0x13: {  	s2 =	sld [smem:$0x3FFD];
	_ =	sdelay $0x3  }
0x14: {  	_ =	strace s2  }
0x15: {  	_ =	strace $0x8FFFFFFF  }
0x16: {  	s20 =	sld [smem:$0x3FDB];
	_ =	sdelay $0x1  }
0x17: {  	s21 =	simm.s32 $_scs_section_size  }
0x18: {  	s5 =	simm.s32 $_size__tile_overlayer_lowered;
	s6 =	simm.s32 $_tile_overlayer_lowered  }
0x19: {  	s7 =	simm.s32 $0x1BFF;
	s22 =	sshll.u32 s6, $0x1;
	s4 =	sadd.s32 s21, s20  }
0x1a: {  	s23 =	simm.s32 $0x0;
	s5 =	sshll.u32 s5, $0x1;
	s6 =	sadd.s32 s22, s4  }
0x1b: {  	[timem:s23], [sflag:s7] =	dma.local [hbm:s6], s5  }
0x1c: {  	_ =	swait.ge [sflag:s7], s5  }
0x1d: {  	s5 =	ssub.s32 $0x0, s5;
	[sflag:s7] =	ssyncset.done $0x0  }
0x1e: {  	[sflag:s7] =	ssyncadd.s32 s5;
	_ =	sdelay $0x1  }
0x1f: {  	s24 =	simm.s32 $0x1B8B  }
0x20: {  	_ =	swait.ge [sflag:s24], $0x1  }
0x21: {  	[sflag:s24] =	ssyncset.done $0x0  }
0x22: {  	[sflag:s24] =	ssyncadd.s32 $0xFFFFFFFF  }
0x23: {  	s5 =	sld [smem:$0x0]  }
0x24: {  	s6 =	sand.u32 $0xFFFFFFFE, s1  }
0x25: {  	p0 =	sne.s32 s1, s6  }
0x26: {  	s6 =	sshll.u32 @p0 s6, $0xE  }
0x27: {  	s6 =	sadd.s32 @p0 $0x11B8D, s6;
	s7 =	sshll.u32 @p0 s5, $0x11  }
0x28: {  	s6 =	sor.u32 @p0 s7, s6  }
0x29: {  	[sflag:s6] =	ssyncadd.remote.s32 @p0 $0x1;
	_ =	sdelay $0x1  }
0x2a: {  	s6 =	simm.s32 @p0 $0x1B8D  }
0x2b: {  	_ =	swait.eq @p0 [sflag:s6], $0x1  }
0x2c: {  	[sflag:s6] =	ssyncadd.s32 @p0 $0xFFFFFFFF  }
0x2d: {  	s7 =	sshll.u32 @!p0 s1, $0xE  }
0x2e: {  	s7 =	sor.u32 @!p0 $0x4000, s7;
	s6 =	simm.s32 @!p0 $0x1B8D  }
0x2f: {  	s5 =	sshll.u32 @!p0 s5, $0x11;
	s7 =	sadd.s32 @!p0 $0x11B8D, s7;
	_ =	swait.eq @!p0 [sflag:s6], $0x1  }
0x30: {  	s5 =	sor.u32 @!p0 s5, s7;
	[sflag:s6] =	ssyncadd.s32 @!p0 $0xFFFFFFFF  }
0x31: {  	s26 =	simm.s32 $0x1B8E;
	s25 =	sld [smem:$0x3FFE];
	[sflag:s5] =	ssyncadd.remote.s32 @!p0 $0x1  }
0x32: {  	s27 =	simm.s32 $execute0_lowered;
	[smem:$0x3FD2] =	sst s26  }
0x33: {  	s6 =	sshll.u32 s27, $0x1;
	_ =	strace $0x8000004C;
	[dreg:$0x1] =	wrdreg $0xFFFFFFFF  }
0x34: {  	s28 =	simm.s32 $_size_execute0_lowered;
	s4 =	sadd.s32 s4, s6;
	[dreg:$0x0] =	wrdreg $0x0  }
0x35: {  	s6 =	sshll.u32 s28, $0x1;
	[dreg:$0x2] =	wrdreg s4  }
0x36: {  	[dreg:$0x3] =	wrdreg s6  }
0x37: {  	[dreg:$0x4] =	wrdreg $0xC0  }
0x38: {  	_ =	task [dreg:s23], $0x5FFFF  }
0x39: {  	[dreg:$0x1] =	wrdreg $0xFFFFFFFF  }
0x3a: {  	[dreg:$0x0] =	wrdreg $0x60  }
0x3b: {  	[dreg:$0x2] =	wrdreg s25  }
0x3c: {  	[dreg:$0x3] =	wrdreg s18  }
0x3d: {  	[dreg:$0x4] =	wrdreg $0xA  }
0x3e: {  	_ =	task.clear_ibuf [dreg:s23], $0x5FFFF;
	_ =	strace $0x9000004C  }
0x3f: {  	s29 =	simm.s32 $0xA;
	_ =	strace $0x8000004E  }
0x40: {  	_ =	swait.ge [sflag:s29], $0x1  }
0x41: {  	[sflag:s29] =	ssyncadd.s32 $0xFFFFFFFF  }
0x42: {  	_ =	strace $0x9000004E  }
0x43: {  	_ =	sfence  }
0x44: {  	s30 =	sld [smem:$0x0];
	_ =	sdelay $0x2  }
0x45: {  	s31 =	sshll.u32 s1, $0xD;
	s1 =	sshrl.u32 s1, $0x2  }
0x46: {  	s4 =	sand.u32 $0x4000, s31;
	s1 =	sadd.s32 s1, s30  }
0x47: {  	s0 =	sor.u32 s4, s0;
	s1 =	sshll.u32 s1, $0x11  }
0x48: {  	s0 =	sor.u32 s1, s0  }
0x49: {  	s0 =	sadd.s32 $0x8F2B, s0  }
0x4a: {  	[sflag:s0] =	ssyncadd.remote.s32 $0x1  }
0x4b: {  	_ =	sfence.sel $0xFFFF  }
0x4c: {  	[dreg:$0x0] =	wrdreg $0xFFFFFFFF;
	(pc) =	sbr.abs _section_cstart, $3  }
0x4d: {  	[dreg:$0x1] =	wrdreg $0xFFFFFFFF  }
0x4e: {  	_ =	task.clear_ibuf [dreg:s23], $0x2FFFF;
	_ =	strace $0x9FFFFFFF  }
0x4f: {  	(tm) =	ssettm $0x7FFFFFFF  }
tec
execute0_lowered:
.L_overlay_start_1:
0x0: {  	(tag) =	ssettag $0x1  }
0x1: {  	s1 =	rddreg [dreg:$0x0]  }
0x2: {  	s2 =	rddreg [dreg:$0x1]  }
0x3: {  	s0 =	rddreg [dreg:$0x2];
	_ =	strace $0x8000004D;
	s4 =	srdreg.scid  }
0x4: {  	s6 =	simm.s32 $0x2;
	s11 =	simm.s32 $0x0;
	p0 =	por $0x0, $0x0  }
.Ltmp0:
0x5: {  	s7 =	simm.s32 $0x2000;
	s12 =	simm.s32 $0x0;
	(pc) =	sbr.rel .LBB1_1-.Ltmp0, $4  }
0x6: {  	s9 =	simm.s32 $0x0;
	s3 =	sadd.s32 $0x144000, s1;
	s5 =	sshll.u32 s4, $0x4  }
0x7: {  	s1 =	stileid.u32;
	s4 =	simm.s32 $0x1;
	s5 =	sand.u32 $0x10, s5  }
0x8: {  	s8 =	simm.s32 $0x0;
	[sflag:s4] =	ssyncpa.u1 $0x0;
	s5 =	sor.u32 s1, s5  }
0x9: {  	[sflag:s6] =	ssyncpa.u1 $0x0;
	s6 =	simm.s32 $0x800;
	s10 =	smov.u32 s5  }
.LBB1_7:
0xa: {  	s13 =	sadd.s32 $0x10, s9  }
0xb: {  	s11 =	sadd.s32 $0x20, s10;
	s15 =	smov.u32 s10;
	p2 =	sgt.s32 s13, $0x3F  }
0xc: {  	p1 =	slt.u32 s8, $0x2;
	s15 =	smov.u32 @p2 s11  }
0xd: {  	s8 =	sadd.s32 $0x1, s8;
	s13 =	simm.s32 @p2 $0x0;
	p2 =	sgt.s32 s15, $0x7F  }
0xe: {  	s15 =	smov.u32 @p2 s5;
	p2 =	sne.s32 s8, $0x12  }
.Ltmp1:
0xf: {  	_ = 	snop;
	(pc) =	sbr.rel @!p2 .LBB1_8-.Ltmp1, $4  }
0x10: {  	s14 =	simm.s32 @!p1 $0x2  }
0x11: {  	s12 =	smov.u32 s10;
	_ =	swait.ge @!p1 [sflag:s14], $0x4000  }
0x12: {  	p0 =	por !p0, !p0;
	s11 =	smov.u32 s9;
	[sflag:s14] =	ssyncset.done @!p1 $0x0  }
0x13: {  	s9 =	smov.u32 s13;
	[sflag:s14] =	ssyncadd.s32 @!p1 $0xFFFFC000;
	s10 =	smov.u32 s15  }
.LBB1_1:
0x14: {  	p1 =	sgt.u32 s8, $0xF  }
0x15: {  	s13 =	sxor.u32 @!p1 $0xFFFFFFFF, s8;
	s14 =	sshll.u32 @!p1 s10, $0xD  }
0x16: {  	s15 =	sshll.u32 @!p1 s9, $0x7;
	s13 =	sshll.u32 @!p1 s13, $0xE;
	s14 =	sadd.s32 @!p1 s3, s14  }
0x17: {  	s13 =	sand.u32 @!p1 $0x4000, s13;
	s14 =	sadd.s32 @!p1 s15, s14;
	s15 =	simm.s32 @!p1 $0x0  }
0x18: {  	[tilespmem:s13], [sflag:$0x1] =	stream.linear.gather @!p1 [hbm4b:s14+s15], $0x4000, $0x38;
	[tilespmem:$0x10000] =	vst v63  }
0x19: {  	p1 =	seq.s32 s8, $0x0  }
0x1a: {  	p2 =	seq.s32 @!p1 s8, $0x11  }
0x1b: {  	p1 =	por p1, p2  }
.Ltmp2:
0x1c: {  	_ = 	snop;
	(pc) =	sbr.rel @p1 .LBB1_7-.Ltmp2, $1  }
0x1d: {  	_ =	sdelay $0x3  }
0x1e: {  	s13 =	simm.s32 $0x1;
	_ =	swait.ge [sflag:s4], $0x4000;
	s16 =	sshll.u32 s8, $0xE  }
0x1f: {  	s13 =	simm.s32 @!p0 $0x0;
	[sflag:s4] =	ssyncset.done $0x0;
	s31 =	sand.u32 $0x4000, s16  }
0x20: {  	s16 =	simm.s32 $0x0;
	s14 =	sshll.u32 s13, $0xE;
	[sflag:s4] =	ssyncadd.s32 $0xFFFFC000  }
0x21: {  	s13 =	sor.u32 $0x8040, s14;
	s15 =	sor.u32 $0x40, s14;
	s14 =	sor.u32 $0x8000, s31  }
.LBB1_3:
0x22: {  	v0 =	vmov s15;
	_ =	sdelay $0x3  }
0x23: {  	s18 =	simm.s32 $0x0  }
0x24: {  	v6 =	vld.idx.msk [tilespmem:v0+s18+$0x30 ss:$0x1], $0xffff  }
0x25: {  	v7 =	vld.idx.msk [tilespmem:v0+s18+$0xFFFFFFC0 ss:$0x1], $0xffff  }
0x26: {  	v5 =	vld.idx.msk [tilespmem:v0+s18+$0xFFFFFFD0 ss:$0x1], $0xffff  }
0x27: {  	v4 =	vld.idx.msk [tilespmem:v0+s18+$0xFFFFFFE0 ss:$0x1], $0xffff  }
0x28: {  	v3 =	vld.idx.msk [tilespmem:v0+s18+$0xFFFFFFF0 ss:$0x1], $0xffff  }
0x29: {  	v1 =	vld.idx.msk [tilespmem:v0+s18+$0x0 ss:$0x1], $0xffff  }
0x2a: {  	v2 =	vld.idx.msk [tilespmem:v0+s18+$0x10 ss:$0x1], $0xffff;
	[tilespmem:s13+$0x30] =	vst v6  }
0x2b: {  	s17 =	simm.s32 $0x80;
	s19 =	simm.s32 $0x400;
	[tilespmem:s13+$0xFFFFFFC0] =	vst v7;
	v6 =	vld.idx.msk [tilespmem:v0+s18+$0x20 ss:$0x1], $0xffff;
	s18 =	smov.u32 s13  }
.LBB1_4:
0x2c: {  	p1 =	sne.s32 s19, $0xE00;
	v7 =	vld.idx.msk [tilespmem:v0+s17+$0x30 ss:$0x1], $0xffff;
	[tilespmem:s18+$0xFFFFFFD0] =	vst v5  }
0x2d: {  	v8 =	vld.idx.msk [tilespmem:v0+s17+$0xFFFFFFC0 ss:$0x1], $0xffff;
	[tilespmem:s18+$0xFFFFFFE0] =	vst v4  }
0x2e: {  	v5 =	vld.idx.msk [tilespmem:v0+s17+$0xFFFFFFD0 ss:$0x1], $0xffff;
	[tilespmem:s18+$0xFFFFFFF0] =	vst v3  }
.Ltmp3:
0x2f: {  	v4 =	vld.idx.msk [tilespmem:v0+s17+$0xFFFFFFE0 ss:$0x1], $0xffff;
	[tilespmem:s18+$0x0] =	vst v1;
	(pc) =	sbr.rel @p1 .LBB1_4-.Ltmp3, $4  }
0x30: {  	v3 =	vld.idx.msk [tilespmem:v0+s17+$0xFFFFFFF0 ss:$0x1], $0xffff;
	[tilespmem:s18+$0x10] =	vst v2  }
0x31: {  	v1 =	vld.idx.msk [tilespmem:v0+s17+$0x0 ss:$0x1], $0xffff;
	[tilespmem:s18+$0x20] =	vst v6;
	s18 =	sadd.s32 $0x800, s18  }
0x32: {  	v2 =	vld.idx.msk [tilespmem:v0+s17+$0x10 ss:$0x1], $0xffff;
	[tilespmem:s18+$0x30] =	vst v7  }
0x33: {  	[tilespmem:s18+$0xFFFFFFC0] =	vst v8;
	v6 =	vld.idx.msk [tilespmem:v0+s17+$0x20 ss:$0x1], $0xffff;
	s17 =	sshra.s32 s19, $0x2;
	s19 =	sadd.s32 $0x200, s19  }
0x34: {  	_ =	sdelay $0x2  }
0x35: {  	[tilespmem:s18+$0xFFFFFFD0] =	vst v5  }
0x36: {  	v56 =	vld.idx.msk [tilespmem:v0+s17+$0x30 ss:$0x1], $0xffff;
	[tilespmem:s18+$0xFFFFFFE0] =	vst v4  }
0x37: {  	v57 =	vld.idx.msk [tilespmem:v0+s17+$0xFFFFFFC0 ss:$0x1], $0xffff;
	[tilespmem:s18+$0xFFFFFFF0] =	vst v3  }
0x38: {  	v58 =	vld.idx.msk [tilespmem:v0+s17+$0xFFFFFFD0 ss:$0x1], $0xffff;
	[tilespmem:s18+$0x0] =	vst v1  }
0x39: {  	v59 =	vld.idx.msk [tilespmem:v0+s17+$0xFFFFFFE0 ss:$0x1], $0xffff;
	[tilespmem:s18+$0x10] =	vst v2  }
0x3a: {  	v60 =	vld.idx.msk [tilespmem:v0+s17+$0xFFFFFFF0 ss:$0x1], $0xffff;
	s31 =	sadd.s32 $0x800, s18;
	[tilespmem:s18+$0x20] =	vst v6  }
0x3b: {  	v61 =	vld.idx.msk [tilespmem:v0+s17+$0x0 ss:$0x1], $0xffff;
	[tilespmem:s31+$0x30] =	vst v56  }
0x3c: {  	v62 =	vld.idx.msk [tilespmem:v0+s17+$0x10 ss:$0x1], $0xffff;
	s16 =	sadd.s32 $0x1, s16;
	[tilespmem:s31+$0xFFFFFFC0] =	vst v57  }
0x3d: {  	v63 =	vld.idx.msk [tilespmem:v0+s17+$0x20 ss:$0x1], $0xffff;
	p1 =	sne.s32 s16, $0x10;
	[tilespmem:s31+$0xFFFFFFD0] =	vst v58  }
.Ltmp4:
0x3e: {  	[tilespmem:s31+$0xFFFFFFE0] =	vst v59;
	(pc) =	sbr.rel @p1 .LBB1_3-.Ltmp4, $4  }
0x3f: {  	[tilespmem:s31+$0xFFFFFFF0] =	vst v60  }
0x40: {  	[tilespmem:s31+$0x0] =	vst v61  }
0x41: {  	[tilespmem:s31+$0x10] =	vst v62  }
0x42: {  	s13 =	sadd.s32 $0x80, s13;
	s15 =	sadd.s32 $0x400, s15;
	[tilespmem:s31+$0x20] =	vst v63  }
.Ltmp5:
0x43: {  	(pc) =	sbr.rel .LBB1_7-.Ltmp5, $4  }
0x44: {  	s12 =	sshll.u32 s12, $0xD;
	s11 =	sshll.u32 s11, $0x4  }
0x45: {  	s11 =	sand.u32 $0x3F0, s11;
	s12 =	sadd.s32 s2, s12  }
0x46: {  	s11 =	sadd.s32 s11, s12  }
0x47: {  	[hbm4b:s11+s6] =	stream.strided.scatter [tilespmem:s14], [sflag:$0x2], $0x4000, s7, s6, $0x38;
	[tilespmem:$0x10000] =	vst v63  }
.LBB1_8:
0x48: {  	_ =	sfence.sel $0x180000  }
0x49: {  	s2 =	simm.s32 $0x1;
	[bflag:$0x0] =	sbarrier.arrive $0xFFFF  }
0x4a: {  	s31 =	simm.s32 $0x2;
	[sflag:s2] =	ssyncpa.u1 $0x1  }
0x4b: {  	[sflag:s31] =	ssyncpa.u1 $0x1  }
0x4c: {  	p0 =	sne.s32 s1, $0x0;
	_ =	strace $0x9000004D  }
0x4d: {  	s0 =	sadd.s32 @!p0 $0x100000, s0;
	[bflag:$0x2] =	sbarrier.arrive $0xFFFF  }
0x4e: {  	[sflag:s0] =	ssyncadd.tile.s32 @!p0 $0x1;
	_ =	shalt  }
.Lfunc_end1:
_tile_overlayer_lowered:
.L_overlay_start_2:
0x4f: {  	(tag) =	ssettag $0x2  }
0x50: {  	s0 =	rddreg [dreg:$0x0];
	s2 =	stileid.u32  }
0x51: {  	s1 =	rddreg [dreg:$0x1];
	p0 =	sne.s32 s2, $0x0  }
0x52: {  	s3 =	rddreg [dreg:$0x2];
	[bflag:$0x3] =	sbarrier.arrive $0xFFFF;
	s2 =	simm.s32 @!p0 $0x1C01  }
0x53: {  	[timem:s3], [sflag:s2] =	dma.local @!p0 [hbm:s0], s1  }
0x54: {  	s0 =	simm.s32 @!p0 $0x1  }
0x55: {  	_ =	swait.ge @!p0 [sflag:s0], s1  }
0x56: {  	s1 =	ssub.s32 @!p0 $0x0, s1;
	[sflag:s0] =	ssyncset.done @!p0 $0x0  }
0x57: {  	[sflag:s0] =	ssyncadd.s32 @!p0 s1  }
0x58: {  	[bflag:$0x3] =	sbarrier.arrive $0xFFFF  }
0x59: {  	_ =	shalt  }

</sc_bundles>
